<compile_context>
chip_gen: v7x
topology: tpu7x:2x2x1
jax: 0.10.2.dev20260603
libtpu: 0.0.44.dev20260713+nightly
codegen_flags: <defaults>
</compile_context>

<pallas_src>
import functools

import jax
import jax.numpy as jnp
from jax import lax
from jax.experimental import pallas as pl
from jax.experimental.pallas import tpu as pltpu
from jax.experimental.pallas import tpu_sc as plsc

NC = 2
NS = 16
CH = 128


def _make_agg(n, n_acc, dh, epw):
    n_chunks = epw // CH
    rz = n_acc // NS
    last = n - (NS - 1) * rz
    assert 0 < last <= rz and last % 8 == 0 and rz % 8 == 0
    assert n_chunks % 2 == 0
    mesh = plsc.VectorSubcoreMesh(core_axis_name="c", subcore_axis_name="s",
                                  num_cores=NC)

    @functools.partial(
        pl.kernel,
        out_type=jax.ShapeDtypeStruct((NC, n, dh), jnp.float32),
        mesh=mesh,
        scratch_types=[
            pltpu.VMEM((CH,), jnp.int32),
            pltpu.VMEM((CH,), jnp.int32),
            pltpu.VMEM((CH,), jnp.int32),
            pltpu.VMEM((CH,), jnp.int32),
            pltpu.VMEM((CH, dh), jnp.float32),
            pltpu.VMEM((CH, dh), jnp.float32),
            pltpu.VMEM_SHARED((n, dh), jnp.float32),
            pltpu.VMEM_SHARED((n_acc, dh), jnp.float32),
        ] + [pltpu.SemaphoreType.DMA] * 8,
        compiler_params=pltpu.CompilerParams(use_tc_tiling_on_sc=False),
    )
    def agg(feat2, src_hbm, dst_hbm, zeros_hbm, out_hbm,
            sidx0, sidx1, didx0, didx1, rows0, rows1, feat_sh, acc_sh,
            i0, i1, d0, d1, g0, g1, s0, s1):
        c = lax.axis_index("c")
        s = lax.axis_index("s")
        base = s * epw

        sidx = (sidx0, sidx1)
        didx = (didx0, didx1)
        rows = (rows0, rows1)
        isem = (i0, i1)
        dsem = (d0, d1)
        gsem = (g0, g1)
        ssem = (s0, s1)

        def si_copy(k, b):
            off = base + k * CH
            return pltpu.make_async_copy(src_hbm.at[pl.ds(off, CH)],
                                         sidx[b], isem[b])

        def di_copy(k, b):
            off = base + k * CH
            return pltpu.make_async_copy(dst_hbm.at[pl.ds(off, CH)],
                                         didx[b], dsem[b])

        def g_copy(b):
            return pltpu.make_async_copy(feat_sh.at[sidx[b]], rows[b],
                                         gsem[b])

        def s_copy(b):
            return pltpu.make_async_copy(rows[b], acc_sh.at[didx[b]], ssem[b])

        for b in (0, 1):
            si_copy(b, b).start()
            di_copy(b, b).start()
        z0 = s * rz

        @pl.when(s < NS - 1)
        def _():
            pltpu.sync_copy(feat2.at[pl.ds(c * n + z0, rz)],
                            feat_sh.at[pl.ds(z0, rz)])

        @pl.when(s == NS - 1)
        def _():
            pltpu.sync_copy(feat2.at[pl.ds(c * n + (NS - 1) * rz, last)],
                            feat_sh.at[pl.ds((NS - 1) * rz, last)])

        pltpu.sync_copy(zeros_hbm.at[pl.ds(z0, rz)], acc_sh.at[pl.ds(z0, rz)])
        plsc.subcore_barrier()

        def body(j, carry):
            c0 = 2 * j

            @pl.when(j > 0)
            def _():
                s_copy(0).wait()
                di_copy(c0, 0).start()
            si_copy(c0, 0).wait()
            g_copy(0).start()

            @pl.when(j > 0)
            def _():
                s_copy(1).wait()
                di_copy(c0 + 1, 1).start()
            si_copy(c0 + 1, 1).wait()
            g_copy(1).start()

            g_copy(0).wait()

            @pl.when(j < n_chunks // 2 - 1)
            def _():
                si_copy(c0 + 2, 0).start()
            di_copy(c0, 0).wait()
            s_copy(0).start(add=True)

            g_copy(1).wait()

            @pl.when(j < n_chunks // 2 - 1)
            def _():
                si_copy(c0 + 3, 1).start()
            di_copy(c0 + 1, 1).wait()
            s_copy(1).start(add=True)

            return carry

        lax.fori_loop(0, n_chunks // 2, body, 0)
        s_copy(0).wait()
        s_copy(1).wait()
        plsc.subcore_barrier()

        r0 = s * rz

        @pl.when(s < NS - 1)
        def _():
            pltpu.sync_copy(acc_sh.at[pl.ds(r0, rz)],
                            out_hbm.at[c, pl.ds(r0, rz)])

        @pl.when(s == NS - 1)
        def _():
            pltpu.sync_copy(acc_sh.at[pl.ds((NS - 1) * rz, last)],
                            out_hbm.at[c, pl.ds((NS - 1) * rz, last)])

    return agg


def _make_dense(n, d, h):
    def body(x_ref, p_ref, w_ref, b_ref, o_ref):
        x = x_ref[...] + jnp.concatenate([p_ref[0], p_ref[1]], axis=1)
        y = lax.dot_general(x, w_ref[...], (((1,), (0,)), ((), ())),
                            preferred_element_type=jnp.float32,
                            precision=lax.Precision.HIGHEST)
        r = jnp.maximum(y + b_ref[...], 0.0)
        o_ref[pl.ds(0, n), :] = r[:, :h // 2]
        o_ref[pl.ds(n, n), :] = r[:, h // 2:]

    return pl.pallas_call(
        body,
        out_shape=jax.ShapeDtypeStruct((2 * n, h // 2), jnp.float32),
    )


def _make_final(n, h, g, cls):
    def body(h2s_ref, q_ref, w2_ref, b2_ref, gid_ref, wo_ref, bo_ref,
             o_ref):
        x = (jnp.concatenate([h2s_ref[pl.ds(0, n), :],
                              h2s_ref[pl.ds(n, n), :]], axis=1)
             + jnp.concatenate([q_ref[0], q_ref[1]], axis=1))
        y = lax.dot_general(x, w2_ref[...], (((1,), (0,)), ((), ())),
                            preferred_element_type=jnp.float32,
                            precision=lax.Precision.HIGHEST)
        h2 = jnp.maximum(y + b2_ref[...], 0.0)
        gid = gid_ref[...]
        onehot = (gid == lax.broadcasted_iota(jnp.int32, (n, g), 1)
                  ).astype(jnp.float32)
        sums = lax.dot_general(onehot, h2, (((0,), (0,)), ((), ())),
                               preferred_element_type=jnp.float32,
                               precision=lax.Precision.HIGHEST)
        ones = jnp.ones((n, 1), jnp.float32)
        counts = lax.dot_general(onehot, ones, (((0,), (0,)), ((), ())),
                                 preferred_element_type=jnp.float32,
                                 precision=lax.Precision.HIGHEST)
        pooled = sums / jnp.maximum(counts, 1.0)
        logits = lax.dot_general(pooled, wo_ref[...], (((1,), (0,)), ((), ())),
                                 preferred_element_type=jnp.float32,
                                 precision=lax.Precision.HIGHEST) + bo_ref[...]
        m = jnp.max(logits, axis=1, keepdims=True)
        e = jnp.exp(logits - m)
        o_ref[...] = e / jnp.sum(e, axis=1, keepdims=True)

    return pl.pallas_call(
        body,
        out_shape=jax.ShapeDtypeStruct((g, cls), jnp.float32),
    )


def kernel(x, edge_index, i, W1, b1, W2, b2, Wo, bo):
    n, d = x.shape
    hid = W1.shape[1]
    g = 64
    cls = Wo.shape[1]
    e = edge_index.shape[1]
    assert d % 2 == 0 and hid % 2 == 0

    n_acc = NS * 8 * (-(-(n + 1) // (NS * 8)))
    epw = 2 * CH * (-(-e // (NS * 2 * CH)))
    e_pad = NS * epw

    src = edge_index[0].astype(jnp.int32)
    dst = edge_index[1].astype(jnp.int32)
    pad = e_pad - e
    if pad:
        src = jnp.concatenate([src, jnp.zeros((pad,), jnp.int32)])
        dst = jnp.concatenate([dst, jnp.full((pad,), n, jnp.int32)])
    zeros = jnp.zeros((n_acc, d // 2), jnp.float32)

    agg = _make_agg(n, n_acc, d // 2, epw)
    dense1 = _make_dense(n, d, hid)
    final = _make_final(n, hid, g, cls)

    x2 = jnp.concatenate([x[:, :d // 2], x[:, d // 2:]], axis=0)
    p = agg(x2, src, dst, zeros)
    h2s = dense1(x, p, W1, b1.reshape(1, -1))
    q = agg(h2s, src, dst, zeros)
    return final(h2s, q, W2, b2.reshape(1, -1),
                 i.astype(jnp.int32).reshape(-1, 1), Wo, bo.reshape(1, -1))

# --- scband reference (transcript-rebuilt; emitter-appended) ---
"""Pipeline reference for scband-light-gin-4166118277195 (READ-ONLY COPY).

The authoritative reference and input builder live on the scoring server;
editing this copy changes nothing except your own understanding.
"""

import jax, jax.numpy as jnp
import numpy as np

N_NODES = 10000
N_EDGES = 320000
D_FEAT = 128
HIDDEN = 128
CLASSES = 10
N_GRAPHS = 64


def setup_inputs(seed: int = 0) -> dict:
    key = jax.random.key(seed)
    ks = jax.random.split(key, 10)
    x = jax.random.normal(ks[0], (N_NODES, D_FEAT), dtype=jnp.float32)
    edge_index = jax.random.randint(ks[1], (2, N_EDGES), 0, N_NODES, dtype=jnp.int64)
    i = jnp.sort(jax.random.randint(ks[2], (N_NODES,), 0, N_GRAPHS, dtype=jnp.int64))
    # learned parameters (GINConv MLP = single Dense per spektral default)
    W1 = jax.random.normal(ks[3], (D_FEAT, HIDDEN), dtype=jnp.float32) * (1.0 / np.sqrt(D_FEAT))
    b1 = jnp.zeros((HIDDEN,), dtype=jnp.float32)
    W2 = jax.random.normal(ks[4], (HIDDEN, HIDDEN), dtype=jnp.float32) * (1.0 / np.sqrt(HIDDEN))
    b2 = jnp.zeros((HIDDEN,), dtype=jnp.float32)
    Wo = jax.random.normal(ks[5], (HIDDEN, CLASSES), dtype=jnp.float32) * (1.0 / np.sqrt(HIDDEN))
    bo = jnp.zeros((CLASSES,), dtype=jnp.float32)
    return {"x": x, "edge_index": edge_index, "i": i,
            "W1": W1, "b1": b1, "W2": W2, "b2": b2, "Wo": Wo, "bo": bo}


def reference(x, edge_index, i, W1, b1, W2, b2, Wo, bo):
    src = edge_index[0]
    dst = edge_index[1]
    n = x.shape[0]
    # GINConv 1: h = Dense((1+eps)*x + sum_{j in N(i)} x_j), eps=0
    agg1 = jax.ops.segment_sum(jnp.take(x, src, axis=0), dst, num_segments=n)
    h1 = jax.nn.relu((x + agg1) @ W1 + b1)
    # Dropout(0.3) is identity at inference
    # GINConv 2
    agg2 = jax.ops.segment_sum(jnp.take(h1, src, axis=0), dst, num_segments=n)
    h2 = jax.nn.relu((h1 + agg2) @ W2 + b2)
    # GlobalAvgPool over graph index i
    sums = jax.ops.segment_sum(h2, i, num_segments=N_GRAPHS)
    counts = jax.ops.segment_sum(jnp.ones((n, 1), dtype=h2.dtype), i, num_segments=N_GRAPHS)
    pooled = sums / jnp.maximum(counts, 1.0)
    # Output Dense + softmax
    return jax.nn.softmax(pooled @ Wo + bo, axis=-1)

if __name__ == "__main__":
    import jax
    _d = setup_inputs()
    print(jax.jit(kernel)(*tuple(_d.values())))

</pallas_src>

<mosaic_0001>
#map = affine_map<(d0, d1) -> (0, 0)>
#map1 = affine_map<(d0, d1) -> (0)>
#map2 = affine_map<(d0, d1) -> (0, 0, 0)>
module attributes {stable_mosaic.version = 14 : i64} {
  func.func @agg(%arg0: i32, %arg1: i32, %arg2: memref<20000x64xf32, #tpu.memory_space<hbm>>, %arg3: memref<323584xi32, #tpu.memory_space<hbm>>, %arg4: memref<323584xi32, #tpu.memory_space<hbm>>, %arg5: memref<10112x64xf32, #tpu.memory_space<hbm>>, %arg6: memref<2x10000x64xf32, #tpu.memory_space<hbm>>, %arg7: memref<128xi32, #tpu.memory_space<vmem>>, %arg8: memref<128xi32, #tpu.memory_space<vmem>>, %arg9: memref<128xi32, #tpu.memory_space<vmem>>, %arg10: memref<128xi32, #tpu.memory_space<vmem>>, %arg11: memref<128x64xf32, #tpu.memory_space<vmem>>, %arg12: memref<128x64xf32, #tpu.memory_space<vmem>>, %arg13: memref<10000x64xf32, #tpu.memory_space<vmem_shared>>, %arg14: memref<10112x64xf32, #tpu.memory_space<vmem_shared>>, %arg15: memref<!tpu.dma_semaphore, #tpu.memory_space<semaphore_mem>>, %arg16: memref<!tpu.dma_semaphore, #tpu.memory_space<semaphore_mem>>, %arg17: memref<!tpu.dma_semaphore, #tpu.memory_space<semaphore_mem>>, %arg18: memref<!tpu.dma_semaphore, #tpu.memory_space<semaphore_mem>>, %arg19: memref<!tpu.dma_semaphore, #tpu.memory_space<semaphore_mem>>, %arg20: memref<!tpu.dma_semaphore, #tpu.memory_space<semaphore_mem>>, %arg21: memref<!tpu.dma_semaphore, #tpu.memory_space<semaphore_mem>>, %arg22: memref<!tpu.dma_semaphore, #tpu.memory_space<semaphore_mem>>) attributes {dimension_semantics = [#tpu.dimension_semantics<core_parallel>, #tpu.dimension_semantics<subcore_parallel>], iteration_bounds = array<i64: 2, 16>, scalar_prefetch = 0 : i64, scratch_operands = 16 : i64, tpu.core_type = #tpu.core_type<sc_vector_subcore>, window_params = [{transform_indices = #map}, {transform_indices = #map1}, {transform_indices = #map1}, {transform_indices = #map}, {transform_indices = #map2}]} {
    %mul3A = arith.constant 20224 : i32
    %mul3A_0 = arith.muli %arg1, %mul3A : i32
    %add3A = arith.constant 0 : i32
    %add3A_1 = arith.addi %mul3A_0, %add3A : i32
    %dma_start3A = tpu.memref_slice %arg3[%add3A_1] : memref<323584xi32, #tpu.memory_space<hbm>> -> memref<128xi32, #tpu.memory_space<hbm>>
    %dma_start3A_2 = tpu.memref_slice %arg3[%add3A_1] : memref<323584xi32, #tpu.memory_space<hbm>> -> memref<128xi32, #tpu.memory_space<hbm>>
    tpu.enqueue_dma source(%dma_start3A_2 : memref<128xi32, #tpu.memory_space<hbm>>) target(%arg7 : memref<128xi32, #tpu.memory_space<vmem>>) target_semaphore(%arg15 : memref<!tpu.dma_semaphore, #tpu.memory_space<semaphore_mem>>)
    %add3A_3 = arith.constant 0 : i32
    %add3A_4 = arith.addi %mul3A_0, %add3A_3 : i32
    %dma_start3A_5 = tpu.memref_slice %arg4[%add3A_4] : memref<323584xi32, #tpu.memory_space<hbm>> -> memref<128xi32, #tpu.memory_space<hbm>>
    %dma_start3A_6 = tpu.memref_slice %arg4[%add3A_4] : memref<323584xi32, #tpu.memory_space<hbm>> -> memref<128xi32, #tpu.memory_space<hbm>>
    tpu.enqueue_dma source(%dma_start3A_6 : memref<128xi32, #tpu.memory_space<hbm>>) target(%arg9 : memref<128xi32, #tpu.memory_space<vmem>>) target_semaphore(%arg17 : memref<!tpu.dma_semaphore, #tpu.memory_space<semaphore_mem>>)
    %add3A_7 = arith.constant 128 : i32
    %add3A_8 = arith.addi %mul3A_0, %add3A_7 : i32
    %dma_start3A_9 = tpu.memref_slice %arg3[%add3A_8] : memref<323584xi32, #tpu.memory_space<hbm>> -> memref<128xi32, #tpu.memory_space<hbm>>
    %dma_start3A_10 = tpu.memref_slice %arg3[%add3A_8] : memref<323584xi32, #tpu.memory_space<hbm>> -> memref<128xi32, #tpu.memory_space<hbm>>
    tpu.enqueue_dma source(%dma_start3A_10 : memref<128xi32, #tpu.memory_space<hbm>>) target(%arg8 : memref<128xi32, #tpu.memory_space<vmem>>) target_semaphore(%arg16 : memref<!tpu.dma_semaphore, #tpu.memory_space<semaphore_mem>>)
    %add3A_11 = arith.constant 128 : i32
    %add3A_12 = arith.addi %mul3A_0, %add3A_11 : i32
    %dma_start3A_13 = tpu.memref_slice %arg4[%add3A_12] : memref<323584xi32, #tpu.memory_space<hbm>> -> memref<128xi32, #tpu.memory_space<hbm>>
    %dma_start3A_14 = tpu.memref_slice %arg4[%add3A_12] : memref<323584xi32, #tpu.memory_space<hbm>> -> memref<128xi32, #tpu.memory_space<hbm>>
    tpu.enqueue_dma source(%dma_start3A_14 : memref<128xi32, #tpu.memory_space<hbm>>) target(%arg10 : memref<128xi32, #tpu.memory_space<vmem>>) target_semaphore(%arg18 : memref<!tpu.dma_semaphore, #tpu.memory_space<semaphore_mem>>)
    %mul3A_15 = arith.constant 632 : i32
    %mul3A_16 = arith.muli %arg1, %mul3A_15 : i32
    %lt3A = arith.constant 15 : i32
    %lt3A_17 = arith.cmpi slt, %arg1, %lt3A : i32
    %convert_element_type3A = arith.extui %lt3A_17 : i1 to i32
    %cond3A = arith.constant 0 : i32
    %cond3A_18 = arith.cmpi ne, %convert_element_type3A, %cond3A : i32
    scf.if %cond3A_18 {
      %mul3A_46 = arith.constant 10000 : i32
      %mul3A_47 = arith.muli %arg0, %mul3A_46 : i32
      %add3A_48 = arith.addi %mul3A_47, %mul3A_16 : i32
      "tpu.region"() ({
        %run_scoped3A = tpu.sem_alloc : memref<!tpu.dma_semaphore, #tpu.memory_space<semaphore_mem>>
        %dma_start3A_49 = arith.constant 0 : i32
        %dma_start3A_50 = tpu.memref_slice %arg13[%mul3A_16, %dma_start3A_49] : memref<10000x64xf32, #tpu.memory_space<vmem_shared>> -> memref<632x64xf32, #tpu.memory_space<vmem_shared>>
        %dma_start3A_51 = arith.constant 0 : i32
        %dma_start3A_52 = tpu.memref_slice %arg2[%add3A_48, %dma_start3A_51] : memref<20000x64xf32, #tpu.memory_space<hbm>> -> memref<632x64xf32, #tpu.memory_space<hbm>>
        tpu.enqueue_dma source(%dma_start3A_52 : memref<632x64xf32, #tpu.memory_space<hbm>>) target(%dma_start3A_50 : memref<632x64xf32, #tpu.memory_space<vmem_shared>>) target_semaphore(%run_scoped3A : memref<!tpu.dma_semaphore, #tpu.memory_space<semaphore_mem>>)
        %dma_wait3A_53 = arith.constant 0 : i32
        %dma_wait3A_54 = tpu.memref_slice %arg13[%mul3A_16, %dma_wait3A_53] : memref<10000x64xf32, #tpu.memory_space<vmem_shared>> -> memref<632x64xf32, #tpu.memory_space<vmem_shared>>
        %dma_wait3A_55 = arith.constant 0 : i32
        %dma_wait3A_56 = tpu.memref_slice %arg2[%add3A_48, %dma_wait3A_55] : memref<20000x64xf32, #tpu.memory_space<hbm>> -> memref<632x64xf32, #tpu.memory_space<hbm>>
        tpu.wait_dma2 semaphore(%run_scoped3A : memref<!tpu.dma_semaphore, #tpu.memory_space<semaphore_mem>>) src(%dma_wait3A_56 : memref<632x64xf32, #tpu.memory_space<hbm>>) dst(%dma_wait3A_54 : memref<632x64xf32, #tpu.memory_space<vmem_shared>>)
        tpu.yield
      }) : () -> ()
    } else {
    }
    %eq3A = arith.constant 15 : i32
    %eq3A_19 = arith.cmpi eq, %arg1, %eq3A : i32
    %convert_element_type3A_20 = arith.extui %eq3A_19 : i1 to i32
    %cond3A_21 = arith.constant 0 : i32
    %cond3A_22 = arith.cmpi ne, %convert_element_type3A_20, %cond3A_21 : i32
    scf.if %cond3A_22 {
      %mul3A_46 = arith.constant 10000 : i32
      %mul3A_47 = arith.muli %arg0, %mul3A_46 : i32
      %add3A_48 = arith.constant 9480 : i32
      %add3A_49 = arith.addi %mul3A_47, %add3A_48 : i32
      "tpu.region"() ({
        %run_scoped3A = tpu.sem_alloc : memref<!tpu.dma_semaphore, #tpu.memory_space<semaphore_mem>>
        %dma_start3A_50 = arith.constant 9480 : i32
        %dma_start3A_51 = arith.constant 0 : i32
        %dma_start3A_52 = tpu.memref_slice %arg13[%dma_start3A_50, %dma_start3A_51] : memref<10000x64xf32, #tpu.memory_space<vmem_shared>> -> memref<520x64xf32, #tpu.memory_space<vmem_shared>>
        %dma_start3A_53 = arith.constant 0 : i32
        %dma_start3A_54 = tpu.memref_slice %arg2[%add3A_49, %dma_start3A_53] : memref<20000x64xf32, #tpu.memory_space<hbm>> -> memref<520x64xf32, #tpu.memory_space<hbm>>
        tpu.enqueue_dma source(%dma_start3A_54 : memref<520x64xf32, #tpu.memory_space<hbm>>) target(%dma_start3A_52 : memref<520x64xf32, #tpu.memory_space<vmem_shared>>) target_semaphore(%run_scoped3A : memref<!tpu.dma_semaphore, #tpu.memory_space<semaphore_mem>>)
        %dma_wait3A_55 = arith.constant 9480 : i32
        %dma_wait3A_56 = arith.constant 0 : i32
        %dma_wait3A_57 = tpu.memref_slice %arg13[%dma_wait3A_55, %dma_wait3A_56] : memref<10000x64xf32, #tpu.memory_space<vmem_shared>> -> memref<520x64xf32, #tpu.memory_space<vmem_shared>>
        %dma_wait3A_58 = arith.constant 0 : i32
        %dma_wait3A_59 = tpu.memref_slice %arg2[%add3A_49, %dma_wait3A_58] : memref<20000x64xf32, #tpu.memory_space<hbm>> -> memref<520x64xf32, #tpu.memory_space<hbm>>
        tpu.wait_dma2 semaphore(%run_scoped3A : memref<!tpu.dma_semaphore, #tpu.memory_space<semaphore_mem>>) src(%dma_wait3A_59 : memref<520x64xf32, #tpu.memory_space<hbm>>) dst(%dma_wait3A_57 : memref<520x64xf32, #tpu.memory_space<vmem_shared>>)
        tpu.yield
      }) : () -> ()
    } else {
    }
    "tpu.region"() ({
      %run_scoped3A = tpu.sem_alloc : memref<!tpu.dma_semaphore, #tpu.memory_space<semaphore_mem>>
      %dma_start3A_46 = arith.constant 0 : i32
      %dma_start3A_47 = tpu.memref_slice %arg14[%mul3A_16, %dma_start3A_46] : memref<10112x64xf32, #tpu.memory_space<vmem_shared>> -> memref<632x64xf32, #tpu.memory_space<vmem_shared>>
      %dma_start3A_48 = arith.constant 0 : i32
      %dma_start3A_49 = tpu.memref_slice %arg5[%mul3A_16, %dma_start3A_48] : memref<10112x64xf32, #tpu.memory_space<hbm>> -> memref<632x64xf32, #tpu.memory_space<hbm>>
      tpu.enqueue_dma source(%dma_start3A_49 : memref<632x64xf32, #tpu.memory_space<hbm>>) target(%dma_start3A_47 : memref<632x64xf32, #tpu.memory_space<vmem_shared>>) target_semaphore(%run_scoped3A : memref<!tpu.dma_semaphore, #tpu.memory_space<semaphore_mem>>)
      %dma_wait3A_50 = arith.constant 0 : i32
      %dma_wait3A_51 = tpu.memref_slice %arg14[%mul3A_16, %dma_wait3A_50] : memref<10112x64xf32, #tpu.memory_space<vmem_shared>> -> memref<632x64xf32, #tpu.memory_space<vmem_shared>>
      %dma_wait3A_52 = arith.constant 0 : i32
      %dma_wait3A_53 = tpu.memref_slice %arg5[%mul3A_16, %dma_wait3A_52] : memref<10112x64xf32, #tpu.memory_space<hbm>> -> memref<632x64xf32, #tpu.memory_space<hbm>>
      tpu.wait_dma2 semaphore(%run_scoped3A : memref<!tpu.dma_semaphore, #tpu.memory_space<semaphore_mem>>) src(%dma_wait3A_53 : memref<632x64xf32, #tpu.memory_space<hbm>>) dst(%dma_wait3A_51 : memref<632x64xf32, #tpu.memory_space<vmem_shared>>)
      tpu.yield
    }) : () -> ()
    %barrier3A = arith.constant 0 : index
    tpu.barrier barrier_id(%barrier3A)
    %scan3A = arith.constant 0 : i32
    %scan3A_23 = arith.constant 0 : i32
    %scan3A_24 = arith.constant 79 : i32
    %scan3A_25 = arith.addi %scan3A_23, %scan3A_24 : i32
    %scan3A_26 = arith.constant 1 : i32
    scf.for %scan3A_46 = %scan3A_23 to %scan3A_25 step %scan3A_26  : i32 {
      %mul3A_47 = arith.constant 2 : i32
      %mul3A_48 = arith.muli %mul3A_47, %scan3A_46 : i32
      %gt3A = arith.constant 0 : i32
      %gt3A_49 = arith.cmpi sgt, %scan3A_46, %gt3A : i32
      %convert_element_type3A_50 = arith.extui %gt3A_49 : i1 to i32
      %cond3A_51 = arith.constant 0 : i32
      %cond3A_52 = arith.cmpi ne, %convert_element_type3A_50, %cond3A_51 : i32
      scf.if %cond3A_52 {
        %dma_wait3A_110 = arith.constant 0 : i32
        %dma_wait3A_111 = arith.constant 0 : i32
        %dma_wait3A_112 = tpu.memref_slice %arg14[%dma_wait3A_110, %dma_wait3A_111] : memref<10112x64xf32, #tpu.memory_space<vmem_shared>> -> memref<10112x64xf32, #tpu.memory_space<vmem_shared>>
        tpu.wait_indirect_dma semaphore(%arg21 : memref<!tpu.dma_semaphore, #tpu.memory_space<semaphore_mem>>) src(%arg11 : memref<128x64xf32, #tpu.memory_space<vmem>>) dst(%dma_wait3A_112 : memref<10112x64xf32, #tpu.memory_space<vmem_shared>>)
        %mul3A_113 = arith.constant 128 : i32
        %mul3A_114 = arith.muli %mul3A_48, %mul3A_113 : i32
        %add3A_115 = arith.addi %mul3A_0, %mul3A_114 : i32
        %dma_start3A_116 = tpu.memref_slice %arg4[%add3A_115] : memref<323584xi32, #tpu.memory_space<hbm>> -> memref<128xi32, #tpu.memory_space<hbm>>
        %dma_start3A_117 = tpu.memref_slice %arg4[%add3A_115] : memref<323584xi32, #tpu.memory_space<hbm>> -> memref<128xi32, #tpu.memory_space<hbm>>
        tpu.enqueue_dma source(%dma_start3A_117 : memref<128xi32, #tpu.memory_space<hbm>>) target(%arg9 : memref<128xi32, #tpu.memory_space<vmem>>) target_semaphore(%arg17 : memref<!tpu.dma_semaphore, #tpu.memory_space<semaphore_mem>>)
      } else {
      }
      %mul3A_53 = arith.constant 128 : i32
      %mul3A_54 = arith.muli %mul3A_48, %mul3A_53 : i32
      %add3A_55 = arith.addi %mul3A_0, %mul3A_54 : i32
      %dma_wait3A_56 = tpu.memref_slice %arg3[%add3A_55] : memref<323584xi32, #tpu.memory_space<hbm>> -> memref<128xi32, #tpu.memory_space<hbm>>
      %dma_wait3A_57 = tpu.memref_slice %arg3[%add3A_55] : memref<323584xi32, #tpu.memory_space<hbm>> -> memref<128xi32, #tpu.memory_space<hbm>>
      tpu.wait_dma2 semaphore(%arg15 : memref<!tpu.dma_semaphore, #tpu.memory_space<semaphore_mem>>) src(%dma_wait3A_57 : memref<128xi32, #tpu.memory_space<hbm>>) dst(%arg7 : memref<128xi32, #tpu.memory_space<vmem>>)
      %dma_start3A_58 = arith.constant 0 : i32
      %dma_start3A_59 = arith.constant 0 : i32
      %dma_start3A_60 = tpu.memref_slice %arg13[%dma_start3A_58, %dma_start3A_59] : memref<10000x64xf32, #tpu.memory_space<vmem_shared>> -> memref<10000x64xf32, #tpu.memory_space<vmem_shared>>
      tpu.enqueue_indirect_dma source(%dma_start3A_60 : memref<10000x64xf32, #tpu.memory_space<vmem_shared>>) target(%arg11 : memref<128x64xf32, #tpu.memory_space<vmem>>) offsets(%arg7 : memref<128xi32, #tpu.memory_space<vmem>>) semaphore(%arg19 : memref<!tpu.dma_semaphore, #tpu.memory_space<semaphore_mem>>)
      %gt3A_61 = arith.constant 0 : i32
      %gt3A_62 = arith.cmpi sgt, %scan3A_46, %gt3A_61 : i32
      %convert_element_type3A_63 = arith.extui %gt3A_62 : i1 to i32
      %cond3A_64 = arith.constant 0 : i32
      %cond3A_65 = arith.cmpi ne, %convert_element_type3A_63, %cond3A_64 : i32
      scf.if %cond3A_65 {
        %dma_wait3A_110 = arith.constant 0 : i32
        %dma_wait3A_111 = arith.constant 0 : i32
        %dma_wait3A_112 = tpu.memref_slice %arg14[%dma_wait3A_110, %dma_wait3A_111] : memref<10112x64xf32, #tpu.memory_space<vmem_shared>> -> memref<10112x64xf32, #tpu.memory_space<vmem_shared>>
        tpu.wait_indirect_dma semaphore(%arg22 : memref<!tpu.dma_semaphore, #tpu.memory_space<semaphore_mem>>) src(%arg12 : memref<128x64xf32, #tpu.memory_space<vmem>>) dst(%dma_wait3A_112 : memref<10112x64xf32, #tpu.memory_space<vmem_shared>>)
        %add3A_113 = arith.constant 1 : i32
        %add3A_114 = arith.addi %mul3A_48, %add3A_113 : i32
        %mul3A_115 = arith.constant 128 : i32
        %mul3A_116 = arith.muli %add3A_114, %mul3A_115 : i32
        %add3A_117 = arith.addi %mul3A_0, %mul3A_116 : i32
        %dma_start3A_118 = tpu.memref_slice %arg4[%add3A_117] : memref<323584xi32, #tpu.memory_space<hbm>> -> memref<128xi32, #tpu.memory_space<hbm>>
        %dma_start3A_119 = tpu.memref_slice %arg4[%add3A_117] : memref<323584xi32, #tpu.memory_space<hbm>> -> memref<128xi32, #tpu.memory_space<hbm>>
        tpu.enqueue_dma source(%dma_start3A_119 : memref<128xi32, #tpu.memory_space<hbm>>) target(%arg10 : memref<128xi32, #tpu.memory_space<vmem>>) target_semaphore(%arg18 : memref<!tpu.dma_semaphore, #tpu.memory_space<semaphore_mem>>)
      } else {
      }
      %add3A_66 = arith.constant 1 : i32
      %add3A_67 = arith.addi %mul3A_48, %add3A_66 : i32
      %mul3A_68 = arith.constant 128 : i32
      %mul3A_69 = arith.muli %add3A_67, %mul3A_68 : i32
      %add3A_70 = arith.addi %mul3A_0, %mul3A_69 : i32
      %dma_wait3A_71 = tpu.memref_slice %arg3[%add3A_70] : memref<323584xi32, #tpu.memory_space<hbm>> -> memref<128xi32, #tpu.memory_space<hbm>>
      %dma_wait3A_72 = tpu.memref_slice %arg3[%add3A_70] : memref<323584xi32, #tpu.memory_space<hbm>> -> memref<128xi32, #tpu.memory_space<hbm>>
      tpu.wait_dma2 semaphore(%arg16 : memref<!tpu.dma_semaphore, #tpu.memory_space<semaphore_mem>>) src(%dma_wait3A_72 : memref<128xi32, #tpu.memory_space<hbm>>) dst(%arg8 : memref<128xi32, #tpu.memory_space<vmem>>)
      %dma_start3A_73 = arith.constant 0 : i32
      %dma_start3A_74 = arith.constant 0 : i32
      %dma_start3A_75 = tpu.memref_slice %arg13[%dma_start3A_73, %dma_start3A_74] : memref<10000x64xf32, #tpu.memory_space<vmem_shared>> -> memref<10000x64xf32, #tpu.memory_space<vmem_shared>>
      tpu.enqueue_indirect_dma source(%dma_start3A_75 : memref<10000x64xf32, #tpu.memory_space<vmem_shared>>) target(%arg12 : memref<128x64xf32, #tpu.memory_space<vmem>>) offsets(%arg8 : memref<128xi32, #tpu.memory_space<vmem>>) semaphore(%arg20 : memref<!tpu.dma_semaphore, #tpu.memory_space<semaphore_mem>>)
      %dma_wait3A_76 = arith.constant 0 : i32
      %dma_wait3A_77 = arith.constant 0 : i32
      %dma_wait3A_78 = tpu.memref_slice %arg13[%dma_wait3A_76, %dma_wait3A_77] : memref<10000x64xf32, #tpu.memory_space<vmem_shared>> -> memref<10000x64xf32, #tpu.memory_space<vmem_shared>>
      tpu.wait_indirect_dma semaphore(%arg19 : memref<!tpu.dma_semaphore, #tpu.memory_space<semaphore_mem>>) src(%dma_wait3A_78 : memref<10000x64xf32, #tpu.memory_space<vmem_shared>>) dst(%arg11 : memref<128x64xf32, #tpu.memory_space<vmem>>)
      %lt3A_79 = arith.constant 78 : i32
      %lt3A_80 = arith.cmpi slt, %scan3A_46, %lt3A_79 : i32
      %convert_element_type3A_81 = arith.extui %lt3A_80 : i1 to i32
      %cond3A_82 = arith.constant 0 : i32
      %cond3A_83 = arith.cmpi ne, %convert_element_type3A_81, %cond3A_82 : i32
      scf.if %cond3A_83 {
        %add3A_110 = arith.constant 2 : i32
        %add3A_111 = arith.addi %mul3A_48, %add3A_110 : i32
        %mul3A_112 = arith.constant 128 : i32
        %mul3A_113 = arith.muli %add3A_111, %mul3A_112 : i32
        %add3A_114 = arith.addi %mul3A_0, %mul3A_113 : i32
        %dma_start3A_115 = tpu.memref_slice %arg3[%add3A_114] : memref<323584xi32, #tpu.memory_space<hbm>> -> memref<128xi32, #tpu.memory_space<hbm>>
        %dma_start3A_116 = tpu.memref_slice %arg3[%add3A_114] : memref<323584xi32, #tpu.memory_space<hbm>> -> memref<128xi32, #tpu.memory_space<hbm>>
        tpu.enqueue_dma source(%dma_start3A_116 : memref<128xi32, #tpu.memory_space<hbm>>) target(%arg7 : memref<128xi32, #tpu.memory_space<vmem>>) target_semaphore(%arg15 : memref<!tpu.dma_semaphore, #tpu.memory_space<semaphore_mem>>)
      } else {
      }
      %mul3A_84 = arith.constant 128 : i32
      %mul3A_85 = arith.muli %mul3A_48, %mul3A_84 : i32
      %add3A_86 = arith.addi %mul3A_0, %mul3A_85 : i32
      %dma_wait3A_87 = tpu.memref_slice %arg4[%add3A_86] : memref<323584xi32, #tpu.memory_space<hbm>> -> memref<128xi32, #tpu.memory_space<hbm>>
      %dma_wait3A_88 = tpu.memref_slice %arg4[%add3A_86] : memref<323584xi32, #tpu.memory_space<hbm>> -> memref<128xi32, #tpu.memory_space<hbm>>
      tpu.wait_dma2 semaphore(%arg17 : memref<!tpu.dma_semaphore, #tpu.memory_space<semaphore_mem>>) src(%dma_wait3A_88 : memref<128xi32, #tpu.memory_space<hbm>>) dst(%arg9 : memref<128xi32, #tpu.memory_space<vmem>>)
      %dma_start3A_89 = arith.constant 0 : i32
      %dma_start3A_90 = arith.constant 0 : i32
      %dma_start3A_91 = tpu.memref_slice %arg14[%dma_start3A_89, %dma_start3A_90] : memref<10112x64xf32, #tpu.memory_space<vmem_shared>> -> memref<10112x64xf32, #tpu.memory_space<vmem_shared>>
      tpu.enqueue_indirect_dma source(%arg11 : memref<128x64xf32, #tpu.memory_space<vmem>>) target(%dma_start3A_91 : memref<10112x64xf32, #tpu.memory_space<vmem_shared>>) offsets(%arg9 : memref<128xi32, #tpu.memory_space<vmem>>) semaphore(%arg21 : memref<!tpu.dma_semaphore, #tpu.memory_space<semaphore_mem>>) {add = true}
      %dma_wait3A_92 = arith.constant 0 : i32
      %dma_wait3A_93 = arith.constant 0 : i32
      %dma_wait3A_94 = tpu.memref_slice %arg13[%dma_wait3A_92, %dma_wait3A_93] : memref<10000x64xf32, #tpu.memory_space<vmem_shared>> -> memref<10000x64xf32, #tpu.memory_space<vmem_shared>>
      tpu.wait_indirect_dma semaphore(%arg20 : memref<!tpu.dma_semaphore, #tpu.memory_space<semaphore_mem>>) src(%dma_wait3A_94 : memref<10000x64xf32, #tpu.memory_space<vmem_shared>>) dst(%arg12 : memref<128x64xf32, #tpu.memory_space<vmem>>)
      %lt3A_95 = arith.constant 78 : i32
      %lt3A_96 = arith.cmpi slt, %scan3A_46, %lt3A_95 : i32
      %convert_element_type3A_97 = arith.extui %lt3A_96 : i1 to i32
      %cond3A_98 = arith.constant 0 : i32
      %cond3A_99 = arith.cmpi ne, %convert_element_type3A_97, %cond3A_98 : i32
      scf.if %cond3A_99 {
        %add3A_110 = arith.constant 3 : i32
        %add3A_111 = arith.addi %mul3A_48, %add3A_110 : i32
        %mul3A_112 = arith.constant 128 : i32
        %mul3A_113 = arith.muli %add3A_111, %mul3A_112 : i32
        %add3A_114 = arith.addi %mul3A_0, %mul3A_113 : i32
        %dma_start3A_115 = tpu.memref_slice %arg3[%add3A_114] : memref<323584xi32, #tpu.memory_space<hbm>> -> memref<128xi32, #tpu.memory_space<hbm>>
        %dma_start3A_116 = tpu.memref_slice %arg3[%add3A_114] : memref<323584xi32, #tpu.memory_space<hbm>> -> memref<128xi32, #tpu.memory_space<hbm>>
        tpu.enqueue_dma source(%dma_start3A_116 : memref<128xi32, #tpu.memory_space<hbm>>) target(%arg8 : memref<128xi32, #tpu.memory_space<vmem>>) target_semaphore(%arg16 : memref<!tpu.dma_semaphore, #tpu.memory_space<semaphore_mem>>)
      } else {
      }
      %add3A_100 = arith.constant 1 : i32
      %add3A_101 = arith.addi %mul3A_48, %add3A_100 : i32
      %mul3A_102 = arith.constant 128 : i32
      %mul3A_103 = arith.muli %add3A_101, %mul3A_102 : i32
      %add3A_104 = arith.addi %mul3A_0, %mul3A_103 : i32
      %dma_wait3A_105 = tpu.memref_slice %arg4[%add3A_104] : memref<323584xi32, #tpu.memory_space<hbm>> -> memref<128xi32, #tpu.memory_space<hbm>>
      %dma_wait3A_106 = tpu.memref_slice %arg4[%add3A_104] : memref<323584xi32, #tpu.memory_space<hbm>> -> memref<128xi32, #tpu.memory_space<hbm>>
      tpu.wait_dma2 semaphore(%arg18 : memref<!tpu.dma_semaphore, #tpu.memory_space<semaphore_mem>>) src(%dma_wait3A_106 : memref<128xi32, #tpu.memory_space<hbm>>) dst(%arg10 : memref<128xi32, #tpu.memory_space<vmem>>)
      %dma_start3A_107 = arith.constant 0 : i32
      %dma_start3A_108 = arith.constant 0 : i32
      %dma_start3A_109 = tpu.memref_slice %arg14[%dma_start3A_107, %dma_start3A_108] : memref<10112x64xf32, #tpu.memory_space<vmem_shared>> -> memref<10112x64xf32, #tpu.memory_space<vmem_shared>>
      tpu.enqueue_indirect_dma source(%arg12 : memref<128x64xf32, #tpu.memory_space<vmem>>) target(%dma_start3A_109 : memref<10112x64xf32, #tpu.memory_space<vmem_shared>>) offsets(%arg10 : memref<128xi32, #tpu.memory_space<vmem>>) semaphore(%arg22 : memref<!tpu.dma_semaphore, #tpu.memory_space<semaphore_mem>>) {add = true}
    }
    %scan3A_27 = arith.constant 79 : i32
    %dma_wait3A = arith.constant 0 : i32
    %dma_wait3A_28 = arith.constant 0 : i32
    %dma_wait3A_29 = tpu.memref_slice %arg14[%dma_wait3A, %dma_wait3A_28] : memref<10112x64xf32, #tpu.memory_space<vmem_shared>> -> memref<10112x64xf32, #tpu.memory_space<vmem_shared>>
    tpu.wait_indirect_dma semaphore(%arg21 : memref<!tpu.dma_semaphore, #tpu.memory_space<semaphore_mem>>) src(%arg11 : memref<128x64xf32, #tpu.memory_space<vmem>>) dst(%dma_wait3A_29 : memref<10112x64xf32, #tpu.memory_space<vmem_shared>>)
    %dma_wait3A_30 = arith.constant 0 : i32
    %dma_wait3A_31 = arith.constant 0 : i32
    %dma_wait3A_32 = tpu.memref_slice %arg14[%dma_wait3A_30, %dma_wait3A_31] : memref<10112x64xf32, #tpu.memory_space<vmem_shared>> -> memref<10112x64xf32, #tpu.memory_space<vmem_shared>>
    tpu.wait_indirect_dma semaphore(%arg22 : memref<!tpu.dma_semaphore, #tpu.memory_space<semaphore_mem>>) src(%arg12 : memref<128x64xf32, #tpu.memory_space<vmem>>) dst(%dma_wait3A_32 : memref<10112x64xf32, #tpu.memory_space<vmem_shared>>)
    %barrier3A_33 = arith.constant 0 : index
    tpu.barrier barrier_id(%barrier3A_33)
    %mul3A_34 = arith.constant 632 : i32
    %mul3A_35 = arith.muli %arg1, %mul3A_34 : i32
    %lt3A_36 = arith.constant 15 : i32
    %lt3A_37 = arith.cmpi slt, %arg1, %lt3A_36 : i32
    %convert_element_type3A_38 = arith.extui %lt3A_37 : i1 to i32
    %cond3A_39 = arith.constant 0 : i32
    %cond3A_40 = arith.cmpi ne, %convert_element_type3A_38, %cond3A_39 : i32
    scf.if %cond3A_40 {
      "tpu.region"() ({
        %run_scoped3A = tpu.sem_alloc : memref<!tpu.dma_semaphore, #tpu.memory_space<semaphore_mem>>
        %dma_start3A_46 = arith.constant 0 : i32
        %dma_start3A_47 = tpu.memref_slice %arg6[%arg0, %mul3A_35, %dma_start3A_46] : memref<2x10000x64xf32, #tpu.memory_space<hbm>> -> memref<1x632x64xf32, #tpu.memory_space<hbm>>
        %dma_start3A_48 = tpu.memref_squeeze %dma_start3A_47 : memref<1x632x64xf32, #tpu.memory_space<hbm>> -> memref<632x64xf32, #tpu.memory_space<hbm>>
        %dma_start3A_49 = arith.constant 0 : i32
        %dma_start3A_50 = tpu.memref_slice %arg14[%mul3A_35, %dma_start3A_49] : memref<10112x64xf32, #tpu.memory_space<vmem_shared>> -> memref<632x64xf32, #tpu.memory_space<vmem_shared>>
        tpu.enqueue_dma source(%dma_start3A_50 : memref<632x64xf32, #tpu.memory_space<vmem_shared>>) target(%dma_start3A_48 : memref<632x64xf32, #tpu.memory_space<hbm>>) target_semaphore(%run_scoped3A : memref<!tpu.dma_semaphore, #tpu.memory_space<semaphore_mem>>)
        %dma_wait3A_51 = arith.constant 0 : i32
        %dma_wait3A_52 = tpu.memref_slice %arg6[%arg0, %mul3A_35, %dma_wait3A_51] : memref<2x10000x64xf32, #tpu.memory_space<hbm>> -> memref<1x632x64xf32, #tpu.memory_space<hbm>>
        %dma_wait3A_53 = tpu.memref_squeeze %dma_wait3A_52 : memref<1x632x64xf32, #tpu.memory_space<hbm>> -> memref<632x64xf32, #tpu.memory_space<hbm>>
        %dma_wait3A_54 = arith.constant 0 : i32
        %dma_wait3A_55 = tpu.memref_slice %arg14[%mul3A_35, %dma_wait3A_54] : memref<10112x64xf32, #tpu.memory_space<vmem_shared>> -> memref<632x64xf32, #tpu.memory_space<vmem_shared>>
        tpu.wait_dma2 semaphore(%run_scoped3A : memref<!tpu.dma_semaphore, #tpu.memory_space<semaphore_mem>>) src(%dma_wait3A_55 : memref<632x64xf32, #tpu.memory_space<vmem_shared>>) dst(%dma_wait3A_53 : memref<632x64xf32, #tpu.memory_space<hbm>>)
        tpu.yield
      }) : () -> ()
    } else {
    }
    %eq3A_41 = arith.constant 15 : i32
    %eq3A_42 = arith.cmpi eq, %arg1, %eq3A_41 : i32
    %convert_element_type3A_43 = arith.extui %eq3A_42 : i1 to i32
    %cond3A_44 = arith.constant 0 : i32
    %cond3A_45 = arith.cmpi ne, %convert_element_type3A_43, %cond3A_44 : i32
    scf.if %cond3A_45 {
      "tpu.region"() ({
        %run_scoped3A = tpu.sem_alloc : memref<!tpu.dma_semaphore, #tpu.memory_space<semaphore_mem>>
        %dma_start3A_46 = arith.constant 9480 : i32
        %dma_start3A_47 = arith.constant 0 : i32
        %dma_start3A_48 = tpu.memref_slice %arg6[%arg0, %dma_start3A_46, %dma_start3A_47] : memref<2x10000x64xf32, #tpu.memory_space<hbm>> -> memref<1x520x64xf32, #tpu.memory_space<hbm>>
        %dma_start3A_49 = tpu.memref_squeeze %dma_start3A_48 : memref<1x520x64xf32, #tpu.memory_space<hbm>> -> memref<520x64xf32, #tpu.memory_space<hbm>>
        %dma_start3A_50 = arith.constant 9480 : i32
        %dma_start3A_51 = arith.constant 0 : i32
        %dma_start3A_52 = tpu.memref_slice %arg14[%dma_start3A_50, %dma_start3A_51] : memref<10112x64xf32, #tpu.memory_space<vmem_shared>> -> memref<520x64xf32, #tpu.memory_space<vmem_shared>>
        tpu.enqueue_dma source(%dma_start3A_52 : memref<520x64xf32, #tpu.memory_space<vmem_shared>>) target(%dma_start3A_49 : memref<520x64xf32, #tpu.memory_space<hbm>>) target_semaphore(%run_scoped3A : memref<!tpu.dma_semaphore, #tpu.memory_space<semaphore_mem>>)
        %dma_wait3A_53 = arith.constant 9480 : i32
        %dma_wait3A_54 = arith.constant 0 : i32
        %dma_wait3A_55 = tpu.memref_slice %arg6[%arg0, %dma_wait3A_53, %dma_wait3A_54] : memref<2x10000x64xf32, #tpu.memory_space<hbm>> -> memref<1x520x64xf32, #tpu.memory_space<hbm>>
        %dma_wait3A_56 = tpu.memref_squeeze %dma_wait3A_55 : memref<1x520x64xf32, #tpu.memory_space<hbm>> -> memref<520x64xf32, #tpu.memory_space<hbm>>
        %dma_wait3A_57 = arith.constant 9480 : i32
        %dma_wait3A_58 = arith.constant 0 : i32
        %dma_wait3A_59 = tpu.memref_slice %arg14[%dma_wait3A_57, %dma_wait3A_58] : memref<10112x64xf32, #tpu.memory_space<vmem_shared>> -> memref<520x64xf32, #tpu.memory_space<vmem_shared>>
        tpu.wait_dma2 semaphore(%run_scoped3A : memref<!tpu.dma_semaphore, #tpu.memory_space<semaphore_mem>>) src(%dma_wait3A_59 : memref<520x64xf32, #tpu.memory_space<vmem_shared>>) dst(%dma_wait3A_56 : memref<520x64xf32, #tpu.memory_space<hbm>>)
        tpu.yield
      }) : () -> ()
    } else {
    }
    return
  }
}

#map = affine_map<(d0, d1) -> (0, 0)>
#map1 = affine_map<(d0, d1) -> (0)>
#map2 = affine_map<(d0, d1) -> (0, 0, 0)>
module attributes {stable_mosaic.version = 14 : i64} {
  func.func @agg(%arg0: i32, %arg1: i32, %arg2: memref<20000x64xf32, #tpu.memory_space<hbm>>, %arg3: memref<323584xi32, #tpu.memory_space<hbm>>, %arg4: memref<323584xi32, #tpu.memory_space<hbm>>, %arg5: memref<10112x64xf32, #tpu.memory_space<hbm>>, %arg6: memref<2x10000x64xf32, #tpu.memory_space<hbm>>, %arg7: memref<128xi32, #tpu.memory_space<vmem>>, %arg8: memref<128xi32, #tpu.memory_space<vmem>>, %arg9: memref<128xi32, #tpu.memory_space<vmem>>, %arg10: memref<128xi32, #tpu.memory_space<vmem>>, %arg11: memref<128x64xf32, #tpu.memory_space<vmem>>, %arg12: memref<128x64xf32, #tpu.memory_space<vmem>>, %arg13: memref<10000x64xf32, #tpu.memory_space<vmem_shared>>, %arg14: memref<10112x64xf32, #tpu.memory_space<vmem_shared>>, %arg15: memref<!tpu.dma_semaphore, #tpu.memory_space<semaphore_mem>>, %arg16: memref<!tpu.dma_semaphore, #tpu.memory_space<semaphore_mem>>, %arg17: memref<!tpu.dma_semaphore, #tpu.memory_space<semaphore_mem>>, %arg18: memref<!tpu.dma_semaphore, #tpu.memory_space<semaphore_mem>>, %arg19: memref<!tpu.dma_semaphore, #tpu.memory_space<semaphore_mem>>, %arg20: memref<!tpu.dma_semaphore, #tpu.memory_space<semaphore_mem>>, %arg21: memref<!tpu.dma_semaphore, #tpu.memory_space<semaphore_mem>>, %arg22: memref<!tpu.dma_semaphore, #tpu.memory_space<semaphore_mem>>) attributes {dimension_semantics = [#tpu.dimension_semantics<core_parallel>, #tpu.dimension_semantics<subcore_parallel>], iteration_bounds = array<i64: 2, 16>, scalar_prefetch = 0 : i64, scratch_operands = 16 : i64, tpu.core_type = #tpu.core_type<sc_vector_subcore>, window_params = [{transform_indices = #map}, {transform_indices = #map1}, {transform_indices = #map1}, {transform_indices = #map}, {transform_indices = #map2}]} {
    %mul3A = arith.constant 20224 : i32
    %mul3A_0 = arith.muli %arg1, %mul3A : i32
    %add3A = arith.constant 0 : i32
    %add3A_1 = arith.addi %mul3A_0, %add3A : i32
    %dma_start3A = tpu.memref_slice %arg3[%add3A_1] : memref<323584xi32, #tpu.memory_space<hbm>> -> memref<128xi32, #tpu.memory_space<hbm>>
    %dma_start3A_2 = tpu.memref_slice %arg3[%add3A_1] : memref<323584xi32, #tpu.memory_space<hbm>> -> memref<128xi32, #tpu.memory_space<hbm>>
    tpu.enqueue_dma source(%dma_start3A_2 : memref<128xi32, #tpu.memory_space<hbm>>) target(%arg7 : memref<128xi32, #tpu.memory_space<vmem>>) target_semaphore(%arg15 : memref<!tpu.dma_semaphore, #tpu.memory_space<semaphore_mem>>)
    %add3A_3 = arith.constant 0 : i32
    %add3A_4 = arith.addi %mul3A_0, %add3A_3 : i32
    %dma_start3A_5 = tpu.memref_slice %arg4[%add3A_4] : memref<323584xi32, #tpu.memory_space<hbm>> -> memref<128xi32, #tpu.memory_space<hbm>>
    %dma_start3A_6 = tpu.memref_slice %arg4[%add3A_4] : memref<323584xi32, #tpu.memory_space<hbm>> -> memref<128xi32, #tpu.memory_space<hbm>>
    tpu.enqueue_dma source(%dma_start3A_6 : memref<128xi32, #tpu.memory_space<hbm>>) target(%arg9 : memref<128xi32, #tpu.memory_space<vmem>>) target_semaphore(%arg17 : memref<!tpu.dma_semaphore, #tpu.memory_space<semaphore_mem>>)
    %add3A_7 = arith.constant 128 : i32
    %add3A_8 = arith.addi %mul3A_0, %add3A_7 : i32
    %dma_start3A_9 = tpu.memref_slice %arg3[%add3A_8] : memref<323584xi32, #tpu.memory_space<hbm>> -> memref<128xi32, #tpu.memory_space<hbm>>
    %dma_start3A_10 = tpu.memref_slice %arg3[%add3A_8] : memref<323584xi32, #tpu.memory_space<hbm>> -> memref<128xi32, #tpu.memory_space<hbm>>
    tpu.enqueue_dma source(%dma_start3A_10 : memref<128xi32, #tpu.memory_space<hbm>>) target(%arg8 : memref<128xi32, #tpu.memory_space<vmem>>) target_semaphore(%arg16 : memref<!tpu.dma_semaphore, #tpu.memory_space<semaphore_mem>>)
    %add3A_11 = arith.constant 128 : i32
    %add3A_12 = arith.addi %mul3A_0, %add3A_11 : i32
    %dma_start3A_13 = tpu.memref_slice %arg4[%add3A_12] : memref<323584xi32, #tpu.memory_space<hbm>> -> memref<128xi32, #tpu.memory_space<hbm>>
    %dma_start3A_14 = tpu.memref_slice %arg4[%add3A_12] : memref<323584xi32, #tpu.memory_space<hbm>> -> memref<128xi32, #tpu.memory_space<hbm>>
    tpu.enqueue_dma source(%dma_start3A_14 : memref<128xi32, #tpu.memory_space<hbm>>) target(%arg10 : memref<128xi32, #tpu.memory_space<vmem>>) target_semaphore(%arg18 : memref<!tpu.dma_semaphore, #tpu.memory_space<semaphore_mem>>)
    %mul3A_15 = arith.constant 632 : i32
    %mul3A_16 = arith.muli %arg1, %mul3A_15 : i32
    %lt3A = arith.constant 15 : i32
    %lt3A_17 = arith.cmpi slt, %arg1, %lt3A : i32
    %convert_element_type3A = arith.extui %lt3A_17 : i1 to i32
    %cond3A = arith.constant 0 : i32
    %cond3A_18 = arith.cmpi ne, %convert_element_type3A, %cond3A : i32
    scf.if %cond3A_18 {
      %mul3A_46 = arith.constant 10000 : i32
      %mul3A_47 = arith.muli %arg0, %mul3A_46 : i32
      %add3A_48 = arith.addi %mul3A_47, %mul3A_16 : i32
      "tpu.region"() ({
        %run_scoped3A = tpu.sem_alloc : memref<!tpu.dma_semaphore, #tpu.memory_space<semaphore_mem>>
        %dma_start3A_49 = arith.constant 0 : i32
        %dma_start3A_50 = tpu.memref_slice %arg13[%mul3A_16, %dma_start3A_49] : memref<10000x64xf32, #tpu.memory_space<vmem_shared>> -> memref<632x64xf32, #tpu.memory_space<vmem_shared>>
        %dma_start3A_51 = arith.constant 0 : i32
        %dma_start3A_52 = tpu.memref_slice %arg2[%add3A_48, %dma_start3A_51] : memref<20000x64xf32, #tpu.memory_space<hbm>> -> memref<632x64xf32, #tpu.memory_space<hbm>>
        tpu.enqueue_dma source(%dma_start3A_52 : memref<632x64xf32, #tpu.memory_space<hbm>>) target(%dma_start3A_50 : memref<632x64xf32, #tpu.memory_space<vmem_shared>>) target_semaphore(%run_scoped3A : memref<!tpu.dma_semaphore, #tpu.memory_space<semaphore_mem>>)
        %dma_wait3A_53 = arith.constant 0 : i32
        %dma_wait3A_54 = tpu.memref_slice %arg13[%mul3A_16, %dma_wait3A_53] : memref<10000x64xf32, #tpu.memory_space<vmem_shared>> -> memref<632x64xf32, #tpu.memory_space<vmem_shared>>
        %dma_wait3A_55 = arith.constant 0 : i32
        %dma_wait3A_56 = tpu.memref_slice %arg2[%add3A_48, %dma_wait3A_55] : memref<20000x64xf32, #tpu.memory_space<hbm>> -> memref<632x64xf32, #tpu.memory_space<hbm>>
        tpu.wait_dma2 semaphore(%run_scoped3A : memref<!tpu.dma_semaphore, #tpu.memory_space<semaphore_mem>>) src(%dma_wait3A_56 : memref<632x64xf32, #tpu.memory_space<hbm>>) dst(%dma_wait3A_54 : memref<632x64xf32, #tpu.memory_space<vmem_shared>>)
        tpu.yield
      }) : () -> ()
    } else {
    }
    %eq3A = arith.constant 15 : i32
    %eq3A_19 = arith.cmpi eq, %arg1, %eq3A : i32
    %convert_element_type3A_20 = arith.extui %eq3A_19 : i1 to i32
    %cond3A_21 = arith.constant 0 : i32
    %cond3A_22 = arith.cmpi ne, %convert_element_type3A_20, %cond3A_21 : i32
    scf.if %cond3A_22 {
      %mul3A_46 = arith.constant 10000 : i32
      %mul3A_47 = arith.muli %arg0, %mul3A_46 : i32
      %add3A_48 = arith.constant 9480 : i32
      %add3A_49 = arith.addi %mul3A_47, %add3A_48 : i32
      "tpu.region"() ({
        %run_scoped3A = tpu.sem_alloc : memref<!tpu.dma_semaphore, #tpu.memory_space<semaphore_mem>>
        %dma_start3A_50 = arith.constant 9480 : i32
        %dma_start3A_51 = arith.constant 0 : i32
        %dma_start3A_52 = tpu.memref_slice %arg13[%dma_start3A_50, %dma_start3A_51] : memref<10000x64xf32, #tpu.memory_space<vmem_shared>> -> memref<520x64xf32, #tpu.memory_space<vmem_shared>>
        %dma_start3A_53 = arith.constant 0 : i32
        %dma_start3A_54 = tpu.memref_slice %arg2[%add3A_49, %dma_start3A_53] : memref<20000x64xf32, #tpu.memory_space<hbm>> -> memref<520x64xf32, #tpu.memory_space<hbm>>
        tpu.enqueue_dma source(%dma_start3A_54 : memref<520x64xf32, #tpu.memory_space<hbm>>) target(%dma_start3A_52 : memref<520x64xf32, #tpu.memory_space<vmem_shared>>) target_semaphore(%run_scoped3A : memref<!tpu.dma_semaphore, #tpu.memory_space<semaphore_mem>>)
        %dma_wait3A_55 = arith.constant 9480 : i32
        %dma_wait3A_56 = arith.constant 0 : i32
        %dma_wait3A_57 = tpu.memref_slice %arg13[%dma_wait3A_55, %dma_wait3A_56] : memref<10000x64xf32, #tpu.memory_space<vmem_shared>> -> memref<520x64xf32, #tpu.memory_space<vmem_shared>>
        %dma_wait3A_58 = arith.constant 0 : i32
        %dma_wait3A_59 = tpu.memref_slice %arg2[%add3A_49, %dma_wait3A_58] : memref<20000x64xf32, #tpu.memory_space<hbm>> -> memref<520x64xf32, #tpu.memory_space<hbm>>
        tpu.wait_dma2 semaphore(%run_scoped3A : memref<!tpu.dma_semaphore, #tpu.memory_space<semaphore_mem>>) src(%dma_wait3A_59 : memref<520x64xf32, #tpu.memory_space<hbm>>) dst(%dma_wait3A_57 : memref<520x64xf32, #tpu.memory_space<vmem_shared>>)
        tpu.yield
      }) : () -> ()
    } else {
    }
    "tpu.region"() ({
      %run_scoped3A = tpu.sem_alloc : memref<!tpu.dma_semaphore, #tpu.memory_space<semaphore_mem>>
      %dma_start3A_46 = arith.constant 0 : i32
      %dma_start3A_47 = tpu.memref_slice %arg14[%mul3A_16, %dma_start3A_46] : memref<10112x64xf32, #tpu.memory_space<vmem_shared>> -> memref<632x64xf32, #tpu.memory_space<vmem_shared>>
      %dma_start3A_48 = arith.constant 0 : i32
      %dma_start3A_49 = tpu.memref_slice %arg5[%mul3A_16, %dma_start3A_48] : memref<10112x64xf32, #tpu.memory_space<hbm>> -> memref<632x64xf32, #tpu.memory_space<hbm>>
      tpu.enqueue_dma source(%dma_start3A_49 : memref<632x64xf32, #tpu.memory_space<hbm>>) target(%dma_start3A_47 : memref<632x64xf32, #tpu.memory_space<vmem_shared>>) target_semaphore(%run_scoped3A : memref<!tpu.dma_semaphore, #tpu.memory_space<semaphore_mem>>)
      %dma_wait3A_50 = arith.constant 0 : i32
      %dma_wait3A_51 = tpu.memref_slice %arg14[%mul3A_16, %dma_wait3A_50] : memref<10112x64xf32, #tpu.memory_space<vmem_shared>> -> memref<632x64xf32, #tpu.memory_space<vmem_shared>>
      %dma_wait3A_52 = arith.constant 0 : i32
      %dma_wait3A_53 = tpu.memref_slice %arg5[%mul3A_16, %dma_wait3A_52] : memref<10112x64xf32, #tpu.memory_space<hbm>> -> memref<632x64xf32, #tpu.memory_space<hbm>>
      tpu.wait_dma2 semaphore(%run_scoped3A : memref<!tpu.dma_semaphore, #tpu.memory_space<semaphore_mem>>) src(%dma_wait3A_53 : memref<632x64xf32, #tpu.memory_space<hbm>>) dst(%dma_wait3A_51 : memref<632x64xf32, #tpu.memory_space<vmem_shared>>)
      tpu.yield
    }) : () -> ()
    %barrier3A = arith.constant 0 : index
    tpu.barrier barrier_id(%barrier3A)
    %scan3A = arith.constant 0 : i32
    %scan3A_23 = arith.constant 0 : i32
    %scan3A_24 = arith.constant 79 : i32
    %scan3A_25 = arith.addi %scan3A_23, %scan3A_24 : i32
    %scan3A_26 = arith.constant 1 : i32
    scf.for %scan3A_46 = %scan3A_23 to %scan3A_25 step %scan3A_26  : i32 {
      %mul3A_47 = arith.constant 2 : i32
      %mul3A_48 = arith.muli %mul3A_47, %scan3A_46 : i32
      %gt3A = arith.constant 0 : i32
      %gt3A_49 = arith.cmpi sgt, %scan3A_46, %gt3A : i32
      %convert_element_type3A_50 = arith.extui %gt3A_49 : i1 to i32
      %cond3A_51 = arith.constant 0 : i32
      %cond3A_52 = arith.cmpi ne, %convert_element_type3A_50, %cond3A_51 : i32
      scf.if %cond3A_52 {
        %dma_wait3A_110 = arith.constant 0 : i32
        %dma_wait3A_111 = arith.constant 0 : i32
        %dma_wait3A_112 = tpu.memref_slice %arg14[%dma_wait3A_110, %dma_wait3A_111] : memref<10112x64xf32, #tpu.memory_space<vmem_shared>> -> memref<10112x64xf32, #tpu.memory_space<vmem_shared>>
        tpu.wait_indirect_dma semaphore(%arg21 : memref<!tpu.dma_semaphore, #tpu.memory_space<semaphore_mem>>) src(%arg11 : memref<128x64xf32, #tpu.memory_space<vmem>>) dst(%dma_wait3A_112 : memref<10112x64xf32, #tpu.memory_space<vmem_shared>>)
        %mul3A_113 = arith.constant 128 : i32
        %mul3A_114 = arith.muli %mul3A_48, %mul3A_113 : i32
        %add3A_115 = arith.addi %mul3A_0, %mul3A_114 : i32
        %dma_start3A_116 = tpu.memref_slice %arg4[%add3A_115] : memref<323584xi32, #tpu.memory_space<hbm>> -> memref<128xi32, #tpu.memory_space<hbm>>
        %dma_start3A_117 = tpu.memref_slice %arg4[%add3A_115] : memref<323584xi32, #tpu.memory_space<hbm>> -> memref<128xi32, #tpu.memory_space<hbm>>
        tpu.enqueue_dma source(%dma_start3A_117 : memref<128xi32, #tpu.memory_space<hbm>>) target(%arg9 : memref<128xi32, #tpu.memory_space<vmem>>) target_semaphore(%arg17 : memref<!tpu.dma_semaphore, #tpu.memory_space<semaphore_mem>>)
      } else {
      }
      %mul3A_53 = arith.constant 128 : i32
      %mul3A_54 = arith.muli %mul3A_48, %mul3A_53 : i32
      %add3A_55 = arith.addi %mul3A_0, %mul3A_54 : i32
      %dma_wait3A_56 = tpu.memref_slice %arg3[%add3A_55] : memref<323584xi32, #tpu.memory_space<hbm>> -> memref<128xi32, #tpu.memory_space<hbm>>
      %dma_wait3A_57 = tpu.memref_slice %arg3[%add3A_55] : memref<323584xi32, #tpu.memory_space<hbm>> -> memref<128xi32, #tpu.memory_space<hbm>>
      tpu.wait_dma2 semaphore(%arg15 : memref<!tpu.dma_semaphore, #tpu.memory_space<semaphore_mem>>) src(%dma_wait3A_57 : memref<128xi32, #tpu.memory_space<hbm>>) dst(%arg7 : memref<128xi32, #tpu.memory_space<vmem>>)
      %dma_start3A_58 = arith.constant 0 : i32
      %dma_start3A_59 = arith.constant 0 : i32
      %dma_start3A_60 = tpu.memref_slice %arg13[%dma_start3A_58, %dma_start3A_59] : memref<10000x64xf32, #tpu.memory_space<vmem_shared>> -> memref<10000x64xf32, #tpu.memory_space<vmem_shared>>
      tpu.enqueue_indirect_dma source(%dma_start3A_60 : memref<10000x64xf32, #tpu.memory_space<vmem_shared>>) target(%arg11 : memref<128x64xf32, #tpu.memory_space<vmem>>) offsets(%arg7 : memref<128xi32, #tpu.memory_space<vmem>>) semaphore(%arg19 : memref<!tpu.dma_semaphore, #tpu.memory_space<semaphore_mem>>)
      %gt3A_61 = arith.constant 0 : i32
      %gt3A_62 = arith.cmpi sgt, %scan3A_46, %gt3A_61 : i32
      %convert_element_type3A_63 = arith.extui %gt3A_62 : i1 to i32
      %cond3A_64 = arith.constant 0 : i32
      %cond3A_65 = arith.cmpi ne, %convert_element_type3A_63, %cond3A_64 : i32
      scf.if %cond3A_65 {
        %dma_wait3A_110 = arith.constant 0 : i32
        %dma_wait3A_111 = arith.constant 0 : i32
        %dma_wait3A_112 = tpu.memref_slice %arg14[%dma_wait3A_110, %dma_wait3A_111] : memref<10112x64xf32, #tpu.memory_space<vmem_shared>> -> memref<10112x64xf32, #tpu.memory_space<vmem_shared>>
        tpu.wait_indirect_dma semaphore(%arg22 : memref<!tpu.dma_semaphore, #tpu.memory_space<semaphore_mem>>) src(%arg12 : memref<128x64xf32, #tpu.memory_space<vmem>>) dst(%dma_wait3A_112 : memref<10112x64xf32, #tpu.memory_space<vmem_shared>>)
        %add3A_113 = arith.constant 1 : i32
        %add3A_114 = arith.addi %mul3A_48, %add3A_113 : i32
        %mul3A_115 = arith.constant 128 : i32
        %mul3A_116 = arith.muli %add3A_114, %mul3A_115 : i32
        %add3A_117 = arith.addi %mul3A_0, %mul3A_116 : i32
        %dma_start3A_118 = tpu.memref_slice %arg4[%add3A_117] : memref<323584xi32, #tpu.memory_space<hbm>> -> memref<128xi32, #tpu.memory_space<hbm>>
        %dma_start3A_119 = tpu.memref_slice %arg4[%add3A_117] : memref<323584xi32, #tpu.memory_space<hbm>> -> memref<128xi32, #tpu.memory_space<hbm>>
        tpu.enqueue_dma source(%dma_start3A_119 : memref<128xi32, #tpu.memory_space<hbm>>) target(%arg10 : memref<128xi32, #tpu.memory_space<vmem>>) target_semaphore(%arg18 : memref<!tpu.dma_semaphore, #tpu.memory_space<semaphore_mem>>)
      } else {
      }
      %add3A_66 = arith.constant 1 : i32
      %add3A_67 = arith.addi %mul3A_48, %add3A_66 : i32
      %mul3A_68 = arith.constant 128 : i32
      %mul3A_69 = arith.muli %add3A_67, %mul3A_68 : i32
      %add3A_70 = arith.addi %mul3A_0, %mul3A_69 : i32
      %dma_wait3A_71 = tpu.memref_slice %arg3[%add3A_70] : memref<323584xi32, #tpu.memory_space<hbm>> -> memref<128xi32, #tpu.memory_space<hbm>>
      %dma_wait3A_72 = tpu.memref_slice %arg3[%add3A_70] : memref<323584xi32, #tpu.memory_space<hbm>> -> memref<128xi32, #tpu.memory_space<hbm>>
      tpu.wait_dma2 semaphore(%arg16 : memref<!tpu.dma_semaphore, #tpu.memory_space<semaphore_mem>>) src(%dma_wait3A_72 : memref<128xi32, #tpu.memory_space<hbm>>) dst(%arg8 : memref<128xi32, #tpu.memory_space<vmem>>)
      %dma_start3A_73 = arith.constant 0 : i32
      %dma_start3A_74 = arith.constant 0 : i32
      %dma_start3A_75 = tpu.memref_slice %arg13[%dma_start3A_73, %dma_start3A_74] : memref<10000x64xf32, #tpu.memory_space<vmem_shared>> -> memref<10000x64xf32, #tpu.memory_space<vmem_shared>>
      tpu.enqueue_indirect_dma source(%dma_start3A_75 : memref<10000x64xf32, #tpu.memory_space<vmem_shared>>) target(%arg12 : memref<128x64xf32, #tpu.memory_space<vmem>>) offsets(%arg8 : memref<128xi32, #tpu.memory_space<vmem>>) semaphore(%arg20 : memref<!tpu.dma_semaphore, #tpu.memory_space<semaphore_mem>>)
      %dma_wait3A_76 = arith.constant 0 : i32
      %dma_wait3A_77 = arith.constant 0 : i32
      %dma_wait3A_78 = tpu.memref_slice %arg13[%dma_wait3A_76, %dma_wait3A_77] : memref<10000x64xf32, #tpu.memory_space<vmem_shared>> -> memref<10000x64xf32, #tpu.memory_space<vmem_shared>>
      tpu.wait_indirect_dma semaphore(%arg19 : memref<!tpu.dma_semaphore, #tpu.memory_space<semaphore_mem>>) src(%dma_wait3A_78 : memref<10000x64xf32, #tpu.memory_space<vmem_shared>>) dst(%arg11 : memref<128x64xf32, #tpu.memory_space<vmem>>)
      %lt3A_79 = arith.constant 78 : i32
      %lt3A_80 = arith.cmpi slt, %scan3A_46, %lt3A_79 : i32
      %convert_element_type3A_81 = arith.extui %lt3A_80 : i1 to i32
      %cond3A_82 = arith.constant 0 : i32
      %cond3A_83 = arith.cmpi ne, %convert_element_type3A_81, %cond3A_82 : i32
      scf.if %cond3A_83 {
        %add3A_110 = arith.constant 2 : i32
        %add3A_111 = arith.addi %mul3A_48, %add3A_110 : i32
        %mul3A_112 = arith.constant 128 : i32
        %mul3A_113 = arith.muli %add3A_111, %mul3A_112 : i32
        %add3A_114 = arith.addi %mul3A_0, %mul3A_113 : i32
        %dma_start3A_115 = tpu.memref_slice %arg3[%add3A_114] : memref<323584xi32, #tpu.memory_space<hbm>> -> memref<128xi32, #tpu.memory_space<hbm>>
        %dma_start3A_116 = tpu.memref_slice %arg3[%add3A_114] : memref<323584xi32, #tpu.memory_space<hbm>> -> memref<128xi32, #tpu.memory_space<hbm>>
        tpu.enqueue_dma source(%dma_start3A_116 : memref<128xi32, #tpu.memory_space<hbm>>) target(%arg7 : memref<128xi32, #tpu.memory_space<vmem>>) target_semaphore(%arg15 : memref<!tpu.dma_semaphore, #tpu.memory_space<semaphore_mem>>)
      } else {
      }
      %mul3A_84 = arith.constant 128 : i32
      %mul3A_85 = arith.muli %mul3A_48, %mul3A_84 : i32
      %add3A_86 = arith.addi %mul3A_0, %mul3A_85 : i32
      %dma_wait3A_87 = tpu.memref_slice %arg4[%add3A_86] : memref<323584xi32, #tpu.memory_space<hbm>> -> memref<128xi32, #tpu.memory_space<hbm>>
      %dma_wait3A_88 = tpu.memref_slice %arg4[%add3A_86] : memref<323584xi32, #tpu.memory_space<hbm>> -> memref<128xi32, #tpu.memory_space<hbm>>
      tpu.wait_dma2 semaphore(%arg17 : memref<!tpu.dma_semaphore, #tpu.memory_space<semaphore_mem>>) src(%dma_wait3A_88 : memref<128xi32, #tpu.memory_space<hbm>>) dst(%arg9 : memref<128xi32, #tpu.memory_space<vmem>>)
      %dma_start3A_89 = arith.constant 0 : i32
      %dma_start3A_90 = arith.constant 0 : i32
      %dma_start3A_91 = tpu.memref_slice %arg14[%dma_start3A_89, %dma_start3A_90] : memref<10112x64xf32, #tpu.memory_space<vmem_shared>> -> memref<10112x64xf32, #tpu.memory_space<vmem_shared>>
      tpu.enqueue_indirect_dma source(%arg11 : memref<128x64xf32, #tpu.memory_space<vmem>>) target(%dma_start3A_91 : memref<10112x64xf32, #tpu.memory_space<vmem_shared>>) offsets(%arg9 : memref<128xi32, #tpu.memory_space<vmem>>) semaphore(%arg21 : memref<!tpu.dma_semaphore, #tpu.memory_space<semaphore_mem>>) {add = true}
      %dma_wait3A_92 = arith.constant 0 : i32
      %dma_wait3A_93 = arith.constant 0 : i32
      %dma_wait3A_94 = tpu.memref_slice %arg13[%dma_wait3A_92, %dma_wait3A_93] : memref<10000x64xf32, #tpu.memory_space<vmem_shared>> -> memref<10000x64xf32, #tpu.memory_space<vmem_shared>>
      tpu.wait_indirect_dma semaphore(%arg20 : memref<!tpu.dma_semaphore, #tpu.memory_space<semaphore_mem>>) src(%dma_wait3A_94 : memref<10000x64xf32, #tpu.memory_space<vmem_shared>>) dst(%arg12 : memref<128x64xf32, #tpu.memory_space<vmem>>)
      %lt3A_95 = arith.constant 78 : i32
      %lt3A_96 = arith.cmpi slt, %scan3A_46, %lt3A_95 : i32
      %convert_element_type3A_97 = arith.extui %lt3A_96 : i1 to i32
      %cond3A_98 = arith.constant 0 : i32
      %cond3A_99 = arith.cmpi ne, %convert_element_type3A_97, %cond3A_98 : i32
      scf.if %cond3A_99 {
        %add3A_110 = arith.constant 3 : i32
        %add3A_111 = arith.addi %mul3A_48, %add3A_110 : i32
        %mul3A_112 = arith.constant 128 : i32
        %mul3A_113 = arith.muli %add3A_111, %mul3A_112 : i32
        %add3A_114 = arith.addi %mul3A_0, %mul3A_113 : i32
        %dma_start3A_115 = tpu.memref_slice %arg3[%add3A_114] : memref<323584xi32, #tpu.memory_space<hbm>> -> memref<128xi32, #tpu.memory_space<hbm>>
        %dma_start3A_116 = tpu.memref_slice %arg3[%add3A_114] : memref<323584xi32, #tpu.memory_space<hbm>> -> memref<128xi32, #tpu.memory_space<hbm>>
        tpu.enqueue_dma source(%dma_start3A_116 : memref<128xi32, #tpu.memory_space<hbm>>) target(%arg8 : memref<128xi32, #tpu.memory_space<vmem>>) target_semaphore(%arg16 : memref<!tpu.dma_semaphore, #tpu.memory_space<semaphore_mem>>)
      } else {
      }
      %add3A_100 = arith.constant 1 : i32
      %add3A_101 = arith.addi %mul3A_48, %add3A_100 : i32
      %mul3A_102 = arith.constant 128 : i32
      %mul3A_103 = arith.muli %add3A_101, %mul3A_102 : i32
      %add3A_104 = arith.addi %mul3A_0, %mul3A_103 : i32
      %dma_wait3A_105 = tpu.memref_slice %arg4[%add3A_104] : memref<323584xi32, #tpu.memory_space<hbm>> -> memref<128xi32, #tpu.memory_space<hbm>>
      %dma_wait3A_106 = tpu.memref_slice %arg4[%add3A_104] : memref<323584xi32, #tpu.memory_space<hbm>> -> memref<128xi32, #tpu.memory_space<hbm>>
      tpu.wait_dma2 semaphore(%arg18 : memref<!tpu.dma_semaphore, #tpu.memory_space<semaphore_mem>>) src(%dma_wait3A_106 : memref<128xi32, #tpu.memory_space<hbm>>) dst(%arg10 : memref<128xi32, #tpu.memory_space<vmem>>)
      %dma_start3A_107 = arith.constant 0 : i32
      %dma_start3A_108 = arith.constant 0 : i32
      %dma_start3A_109 = tpu.memref_slice %arg14[%dma_start3A_107, %dma_start3A_108] : memref<10112x64xf32, #tpu.memory_space<vmem_shared>> -> memref<10112x64xf32, #tpu.memory_space<vmem_shared>>
      tpu.enqueue_indirect_dma source(%arg12 : memref<128x64xf32, #tpu.memory_space<vmem>>) target(%dma_start3A_109 : memref<10112x64xf32, #tpu.memory_space<vmem_shared>>) offsets(%arg10 : memref<128xi32, #tpu.memory_space<vmem>>) semaphore(%arg22 : memref<!tpu.dma_semaphore, #tpu.memory_space<semaphore_mem>>) {add = true}
    }
    %scan3A_27 = arith.constant 79 : i32
    %dma_wait3A = arith.constant 0 : i32
    %dma_wait3A_28 = arith.constant 0 : i32
    %dma_wait3A_29 = tpu.memref_slice %arg14[%dma_wait3A, %dma_wait3A_28] : memref<10112x64xf32, #tpu.memory_space<vmem_shared>> -> memref<10112x64xf32, #tpu.memory_space<vmem_shared>>
    tpu.wait_indirect_dma semaphore(%arg21 : memref<!tpu.dma_semaphore, #tpu.memory_space<semaphore_mem>>) src(%arg11 : memref<128x64xf32, #tpu.memory_space<vmem>>) dst(%dma_wait3A_29 : memref<10112x64xf32, #tpu.memory_space<vmem_shared>>)
    %dma_wait3A_30 = arith.constant 0 : i32
    %dma_wait3A_31 = arith.constant 0 : i32
    %dma_wait3A_32 = tpu.memref_slice %arg14[%dma_wait3A_30, %dma_wait3A_31] : memref<10112x64xf32, #tpu.memory_space<vmem_shared>> -> memref<10112x64xf32, #tpu.memory_space<vmem_shared>>
    tpu.wait_indirect_dma semaphore(%arg22 : memref<!tpu.dma_semaphore, #tpu.memory_space<semaphore_mem>>) src(%arg12 : memref<128x64xf32, #tpu.memory_space<vmem>>) dst(%dma_wait3A_32 : memref<10112x64xf32, #tpu.memory_space<vmem_shared>>)
    %barrier3A_33 = arith.constant 0 : index
    tpu.barrier barrier_id(%barrier3A_33)
    %mul3A_34 = arith.constant 632 : i32
    %mul3A_35 = arith.muli %arg1, %mul3A_34 : i32
    %lt3A_36 = arith.constant 15 : i32
    %lt3A_37 = arith.cmpi slt, %arg1, %lt3A_36 : i32
    %convert_element_type3A_38 = arith.extui %lt3A_37 : i1 to i32
    %cond3A_39 = arith.constant 0 : i32
    %cond3A_40 = arith.cmpi ne, %convert_element_type3A_38, %cond3A_39 : i32
    scf.if %cond3A_40 {
      "tpu.region"() ({
        %run_scoped3A = tpu.sem_alloc : memref<!tpu.dma_semaphore, #tpu.memory_space<semaphore_mem>>
        %dma_start3A_46 = arith.constant 0 : i32
        %dma_start3A_47 = tpu.memref_slice %arg6[%arg0, %mul3A_35, %dma_start3A_46] : memref<2x10000x64xf32, #tpu.memory_space<hbm>> -> memref<1x632x64xf32, #tpu.memory_space<hbm>>
        %dma_start3A_48 = tpu.memref_squeeze %dma_start3A_47 : memref<1x632x64xf32, #tpu.memory_space<hbm>> -> memref<632x64xf32, #tpu.memory_space<hbm>>
        %dma_start3A_49 = arith.constant 0 : i32
        %dma_start3A_50 = tpu.memref_slice %arg14[%mul3A_35, %dma_start3A_49] : memref<10112x64xf32, #tpu.memory_space<vmem_shared>> -> memref<632x64xf32, #tpu.memory_space<vmem_shared>>
        tpu.enqueue_dma source(%dma_start3A_50 : memref<632x64xf32, #tpu.memory_space<vmem_shared>>) target(%dma_start3A_48 : memref<632x64xf32, #tpu.memory_space<hbm>>) target_semaphore(%run_scoped3A : memref<!tpu.dma_semaphore, #tpu.memory_space<semaphore_mem>>)
        %dma_wait3A_51 = arith.constant 0 : i32
        %dma_wait3A_52 = tpu.memref_slice %arg6[%arg0, %mul3A_35, %dma_wait3A_51] : memref<2x10000x64xf32, #tpu.memory_space<hbm>> -> memref<1x632x64xf32, #tpu.memory_space<hbm>>
        %dma_wait3A_53 = tpu.memref_squeeze %dma_wait3A_52 : memref<1x632x64xf32, #tpu.memory_space<hbm>> -> memref<632x64xf32, #tpu.memory_space<hbm>>
        %dma_wait3A_54 = arith.constant 0 : i32
        %dma_wait3A_55 = tpu.memref_slice %arg14[%mul3A_35, %dma_wait3A_54] : memref<10112x64xf32, #tpu.memory_space<vmem_shared>> -> memref<632x64xf32, #tpu.memory_space<vmem_shared>>
        tpu.wait_dma2 semaphore(%run_scoped3A : memref<!tpu.dma_semaphore, #tpu.memory_space<semaphore_mem>>) src(%dma_wait3A_55 : memref<632x64xf32, #tpu.memory_space<vmem_shared>>) dst(%dma_wait3A_53 : memref<632x64xf32, #tpu.memory_space<hbm>>)
        tpu.yield
      }) : () -> ()
    } else {
    }
    %eq3A_41 = arith.constant 15 : i32
    %eq3A_42 = arith.cmpi eq, %arg1, %eq3A_41 : i32
    %convert_element_type3A_43 = arith.extui %eq3A_42 : i1 to i32
    %cond3A_44 = arith.constant 0 : i32
    %cond3A_45 = arith.cmpi ne, %convert_element_type3A_43, %cond3A_44 : i32
    scf.if %cond3A_45 {
      "tpu.region"() ({
        %run_scoped3A = tpu.sem_alloc : memref<!tpu.dma_semaphore, #tpu.memory_space<semaphore_mem>>
        %dma_start3A_46 = arith.constant 9480 : i32
        %dma_start3A_47 = arith.constant 0 : i32
        %dma_start3A_48 = tpu.memref_slice %arg6[%arg0, %dma_start3A_46, %dma_start3A_47] : memref<2x10000x64xf32, #tpu.memory_space<hbm>> -> memref<1x520x64xf32, #tpu.memory_space<hbm>>
        %dma_start3A_49 = tpu.memref_squeeze %dma_start3A_48 : memref<1x520x64xf32, #tpu.memory_space<hbm>> -> memref<520x64xf32, #tpu.memory_space<hbm>>
        %dma_start3A_50 = arith.constant 9480 : i32
        %dma_start3A_51 = arith.constant 0 : i32
        %dma_start3A_52 = tpu.memref_slice %arg14[%dma_start3A_50, %dma_start3A_51] : memref<10112x64xf32, #tpu.memory_space<vmem_shared>> -> memref<520x64xf32, #tpu.memory_space<vmem_shared>>
        tpu.enqueue_dma source(%dma_start3A_52 : memref<520x64xf32, #tpu.memory_space<vmem_shared>>) target(%dma_start3A_49 : memref<520x64xf32, #tpu.memory_space<hbm>>) target_semaphore(%run_scoped3A : memref<!tpu.dma_semaphore, #tpu.memory_space<semaphore_mem>>)
        %dma_wait3A_53 = arith.constant 9480 : i32
        %dma_wait3A_54 = arith.constant 0 : i32
        %dma_wait3A_55 = tpu.memref_slice %arg6[%arg0, %dma_wait3A_53, %dma_wait3A_54] : memref<2x10000x64xf32, #tpu.memory_space<hbm>> -> memref<1x520x64xf32, #tpu.memory_space<hbm>>
        %dma_wait3A_56 = tpu.memref_squeeze %dma_wait3A_55 : memref<1x520x64xf32, #tpu.memory_space<hbm>> -> memref<520x64xf32, #tpu.memory_space<hbm>>
        %dma_wait3A_57 = arith.constant 9480 : i32
        %dma_wait3A_58 = arith.constant 0 : i32
        %dma_wait3A_59 = tpu.memref_slice %arg14[%dma_wait3A_57, %dma_wait3A_58] : memref<10112x64xf32, #tpu.memory_space<vmem_shared>> -> memref<520x64xf32, #tpu.memory_space<vmem_shared>>
        tpu.wait_dma2 semaphore(%run_scoped3A : memref<!tpu.dma_semaphore, #tpu.memory_space<semaphore_mem>>) src(%dma_wait3A_59 : memref<520x64xf32, #tpu.memory_space<vmem_shared>>) dst(%dma_wait3A_56 : memref<520x64xf32, #tpu.memory_space<hbm>>)
        tpu.yield
      }) : () -> ()
    } else {
    }
    return
  }
}

module attributes {stable_mosaic.version = 14 : i64} {
  func.func @body(%arg0: memref<10000x128xf32, #tpu.memory_space<vmem>>, %arg1: memref<2x10000x64xf32, #tpu.memory_space<vmem>>, %arg2: memref<128x128xf32, #tpu.memory_space<vmem>>, %arg3: memref<1x128xf32, #tpu.memory_space<vmem>>, %arg4: memref<20000x64xf32, #tpu.memory_space<vmem>>) attributes {dimension_semantics = [], scalar_prefetch = 0 : i64, scratch_operands = 0 : i64, tpu.core_type = #tpu.core_type<tc>} {
    %get3A = arith.constant 0 : index
    %get3A_0 = arith.constant 0 : index
    %get3A_1 = vector.load %arg0[%get3A, %get3A_0] : memref<10000x128xf32, #tpu.memory_space<vmem>>, vector<10000x128xf32>
    %get3A_2 = arith.constant 0 : index
    %get3A_3 = arith.constant 0 : index
    %get3A_4 = arith.constant 0 : index
    %get3A_5 = vector.load %arg1[%get3A_2, %get3A_3, %get3A_4] : memref<2x10000x64xf32, #tpu.memory_space<vmem>>, vector<1x10000x64xf32>
    %get3A_6 = vector.shape_cast %get3A_5 : vector<1x10000x64xf32> to vector<10000x64xf32>
    %get3A_7 = arith.constant 1 : index
    %get3A_8 = arith.constant 0 : index
    %get3A_9 = arith.constant 0 : index
    %get3A_10 = vector.load %arg1[%get3A_7, %get3A_8, %get3A_9] : memref<2x10000x64xf32, #tpu.memory_space<vmem>>, vector<1x10000x64xf32>
    %get3A_11 = vector.shape_cast %get3A_10 : vector<1x10000x64xf32> to vector<10000x64xf32>
    %concatenate3A = tpu.concatenate %get3A_6, %get3A_11 in 1 : vector<10000x64xf32>, vector<10000x64xf32> -> vector<10000x128xf32>
    %add3A = arith.addf %get3A_1, %concatenate3A : vector<10000x128xf32>
    %get3A_12 = arith.constant 0 : index
    %get3A_13 = arith.constant 0 : index
    %get3A_14 = vector.load %arg2[%get3A_12, %get3A_13] : memref<128x128xf32, #tpu.memory_space<vmem>>, vector<128x128xf32>
    %dot_general3A = arith.constant dense<0.000000e+00> : vector<10000x128xf32>
    %dot_general3A_15 = tpu.matmul %add3A, %get3A_14, %dot_general3A {dimension_numbers = #tpu.dot_dimension_numbers<[1], [0], [0], [1], [0, 0, 1, 1], [], []>, precision = #tpu.contract_precision<fp32>, transpose_lhs_hint = false} : vector<10000x128xf32>, vector<128x128xf32>, vector<10000x128xf32> -> vector<10000x128xf32>
    %get3A_16 = arith.constant 0 : index
    %get3A_17 = arith.constant 0 : index
    %get3A_18 = vector.load %arg3[%get3A_16, %get3A_17] : memref<1x128xf32, #tpu.memory_space<vmem>>, vector<1x128xf32>
    %add3A_19 = vector.broadcast %get3A_18 : vector<1x128xf32> to vector<10000x128xf32>
    %add3A_20 = arith.addf %dot_general3A_15, %add3A_19 : vector<10000x128xf32>
    %max3A = arith.constant 0.000000e+00 : f32
    %max3A_21 = vector.broadcast %max3A : f32 to vector<10000x128xf32>
    %max3A_22 = arith.maximumf %add3A_20, %max3A_21 : vector<10000x128xf32>
    %slice3A = vector.extract_strided_slice %max3A_22 {offsets = [0, 0], sizes = [10000, 64], strides = [1, 1]} : vector<10000x128xf32> to vector<10000x64xf32>
    %swap3A = arith.constant 0 : index
    %swap3A_23 = arith.constant 0 : index
    %swap3A_24 = vector.load %arg4[%swap3A, %swap3A_23] : memref<20000x64xf32, #tpu.memory_space<vmem>>, vector<10000x64xf32>
    tpu.vector_store %arg4[%swap3A, %swap3A_23], %slice3A {strides = array<i32>} : memref<20000x64xf32, #tpu.memory_space<vmem>>, vector<10000x64xf32>,
    %slice3A_25 = vector.extract_strided_slice %max3A_22 {offsets = [0, 64], sizes = [10000, 64], strides = [1, 1]} : vector<10000x128xf32> to vector<10000x64xf32>
    %swap3A_26 = arith.constant 10000 : index
    %swap3A_27 = arith.constant 0 : index
    %swap3A_28 = vector.load %arg4[%swap3A_26, %swap3A_27] : memref<20000x64xf32, #tpu.memory_space<vmem>>, vector<10000x64xf32>
    tpu.vector_store %arg4[%swap3A_26, %swap3A_27], %slice3A_25 {strides = array<i32>} : memref<20000x64xf32, #tpu.memory_space<vmem>>, vector<10000x64xf32>,
    return
  }
}

module attributes {stable_mosaic.version = 14 : i64} {
  func.func @body(%arg0: memref<20000x64xf32, #tpu.memory_space<vmem>>, %arg1: memref<2x10000x64xf32, #tpu.memory_space<vmem>>, %arg2: memref<128x128xf32, #tpu.memory_space<vmem>>, %arg3: memref<1x128xf32, #tpu.memory_space<vmem>>, %arg4: memref<10000x1xi32, #tpu.memory_space<vmem>>, %arg5: memref<128x10xf32, #tpu.memory_space<vmem>>, %arg6: memref<1x10xf32, #tpu.memory_space<vmem>>, %arg7: memref<64x10xf32, #tpu.memory_space<vmem>>) attributes {dimension_semantics = [], scalar_prefetch = 0 : i64, scratch_operands = 0 : i64, tpu.core_type = #tpu.core_type<tc>} {
    %get3A = arith.constant 0 : index
    %get3A_0 = arith.constant 0 : index
    %get3A_1 = vector.load %arg0[%get3A, %get3A_0] : memref<20000x64xf32, #tpu.memory_space<vmem>>, vector<10000x64xf32>
    %get3A_2 = arith.constant 10000 : index
    %get3A_3 = arith.constant 0 : index
    %get3A_4 = vector.load %arg0[%get3A_2, %get3A_3] : memref<20000x64xf32, #tpu.memory_space<vmem>>, vector<10000x64xf32>
    %concatenate3A = tpu.concatenate %get3A_1, %get3A_4 in 1 : vector<10000x64xf32>, vector<10000x64xf32> -> vector<10000x128xf32>
    %get3A_5 = arith.constant 0 : index
    %get3A_6 = arith.constant 0 : index
    %get3A_7 = arith.constant 0 : index
    %get3A_8 = vector.load %arg1[%get3A_5, %get3A_6, %get3A_7] : memref<2x10000x64xf32, #tpu.memory_space<vmem>>, vector<1x10000x64xf32>
    %get3A_9 = vector.shape_cast %get3A_8 : vector<1x10000x64xf32> to vector<10000x64xf32>
    %get3A_10 = arith.constant 1 : index
    %get3A_11 = arith.constant 0 : index
    %get3A_12 = arith.constant 0 : index
    %get3A_13 = vector.load %arg1[%get3A_10, %get3A_11, %get3A_12] : memref<2x10000x64xf32, #tpu.memory_space<vmem>>, vector<1x10000x64xf32>
    %get3A_14 = vector.shape_cast %get3A_13 : vector<1x10000x64xf32> to vector<10000x64xf32>
    %concatenate3A_15 = tpu.concatenate %get3A_9, %get3A_14 in 1 : vector<10000x64xf32>, vector<10000x64xf32> -> vector<10000x128xf32>
    %add3A = arith.addf %concatenate3A, %concatenate3A_15 : vector<10000x128xf32>
    %get3A_16 = arith.constant 0 : index
    %get3A_17 = arith.constant 0 : index
    %get3A_18 = vector.load %arg2[%get3A_16, %get3A_17] : memref<128x128xf32, #tpu.memory_space<vmem>>, vector<128x128xf32>
    %dot_general3A = arith.constant dense<0.000000e+00> : vector<10000x128xf32>
    %dot_general3A_19 = tpu.matmul %add3A, %get3A_18, %dot_general3A {dimension_numbers = #tpu.dot_dimension_numbers<[1], [0], [0], [1], [0, 0, 1, 1], [], []>, precision = #tpu.contract_precision<fp32>, transpose_lhs_hint = false} : vector<10000x128xf32>, vector<128x128xf32>, vector<10000x128xf32> -> vector<10000x128xf32>
    %get3A_20 = arith.constant 0 : index
    %get3A_21 = arith.constant 0 : index
    %get3A_22 = vector.load %arg3[%get3A_20, %get3A_21] : memref<1x128xf32, #tpu.memory_space<vmem>>, vector<1x128xf32>
    %add3A_23 = vector.broadcast %get3A_22 : vector<1x128xf32> to vector<10000x128xf32>
    %add3A_24 = arith.addf %dot_general3A_19, %add3A_23 : vector<10000x128xf32>
    %max3A = arith.constant 0.000000e+00 : f32
    %max3A_25 = vector.broadcast %max3A : f32 to vector<10000x128xf32>
    %max3A_26 = arith.maximumf %add3A_24, %max3A_25 : vector<10000x128xf32>
    %get3A_27 = arith.constant 0 : index
    %get3A_28 = arith.constant 0 : index
    %get3A_29 = vector.load %arg4[%get3A_27, %get3A_28] : memref<10000x1xi32, #tpu.memory_space<vmem>>, vector<10000x1xi32>
    %iota3A = tpu.iota {dimensions = array<i32: 1>} : vector<10000x64xi32>
    %eq3A = vector.broadcast %get3A_29 : vector<10000x1xi32> to vector<10000x64xi32>
    %eq3A_30 = arith.cmpi eq, %eq3A, %iota3A : vector<10000x64xi32>
    %convert_element_type3A = arith.extui %eq3A_30 : vector<10000x64xi1> to vector<10000x64xi32>
    %convert_element_type3A_31 = arith.sitofp %convert_element_type3A : vector<10000x64xi32> to vector<10000x64xf32>
    %dot_general3A_32 = arith.constant dense<0.000000e+00> : vector<64x128xf32>
    %dot_general3A_33 = tpu.matmul %convert_element_type3A_31, %max3A_26, %dot_general3A_32 {dimension_numbers = #tpu.dot_dimension_numbers<[0], [0], [1], [1], [0, 1, 1, 1], [], []>, precision = #tpu.contract_precision<fp32>, transpose_lhs_hint = false} : vector<10000x64xf32>, vector<10000x128xf32>, vector<64x128xf32> -> vector<64x128xf32>
    %broadcast_in_dim3A = arith.constant 1.000000e+00 : f32
    %broadcast_in_dim3A_34 = vector.broadcast %broadcast_in_dim3A : f32 to vector<10000x1xf32>
    %dot_general3A_35 = arith.constant dense<0.000000e+00> : vector<64x1xf32>
    %dot_general3A_36 = tpu.matmul %convert_element_type3A_31, %broadcast_in_dim3A_34, %dot_general3A_35 {dimension_numbers = #tpu.dot_dimension_numbers<[0], [0], [1], [1], [0, 1, 1, 1], [], []>, precision = #tpu.contract_precision<fp32>, transpose_lhs_hint = false} : vector<10000x64xf32>, vector<10000x1xf32>, vector<64x1xf32> -> vector<64x1xf32>
    %max3A_37 = arith.constant 1.000000e+00 : f32
    %max3A_38 = vector.broadcast %max3A_37 : f32 to vector<64x1xf32>
    %max3A_39 = arith.maximumf %dot_general3A_36, %max3A_38 : vector<64x1xf32>
    %div3A = vector.broadcast %max3A_39 : vector<64x1xf32> to vector<64x128xf32>
    %div3A_40 = arith.divf %dot_general3A_33, %div3A : vector<64x128xf32>
    %get3A_41 = arith.constant 0 : index
    %get3A_42 = arith.constant 0 : index
    %get3A_43 = vector.load %arg5[%get3A_41, %get3A_42] : memref<128x10xf32, #tpu.memory_space<vmem>>, vector<128x10xf32>
    %dot_general3A_44 = arith.constant dense<0.000000e+00> : vector<64x10xf32>
    %dot_general3A_45 = tpu.matmul %div3A_40, %get3A_43, %dot_general3A_44 {dimension_numbers = #tpu.dot_dimension_numbers<[1], [0], [0], [1], [0, 0, 1, 1], [], []>, precision = #tpu.contract_precision<fp32>, transpose_lhs_hint = false} : vector<64x128xf32>, vector<128x10xf32>, vector<64x10xf32> -> vector<64x10xf32>
    %get3A_46 = arith.constant 0 : index
    %get3A_47 = arith.constant 0 : index
    %get3A_48 = vector.load %arg6[%get3A_46, %get3A_47] : memref<1x10xf32, #tpu.memory_space<vmem>>, vector<1x10xf32>
    %add3A_49 = vector.broadcast %get3A_48 : vector<1x10xf32> to vector<64x10xf32>
    %add3A_50 = arith.addf %dot_general3A_45, %add3A_49 : vector<64x10xf32>
    %reduce_max3A = arith.constant dense<0xFF800000> : vector<64xf32>
    %reduce_max3A_51 = vector.multi_reduction <maximumf>, %add3A_50, %reduce_max3A [1] : vector<64x10xf32> to vector<64xf32>
    %broadcast_in_dim3A_52 = vector.shape_cast %reduce_max3A_51 : vector<64xf32> to vector<64x1xf32>
    %sub3A = vector.broadcast %broadcast_in_dim3A_52 : vector<64x1xf32> to vector<64x10xf32>
    %sub3A_53 = arith.subf %add3A_50, %sub3A : vector<64x10xf32>
    %exp3A = math.exp %sub3A_53 : vector<64x10xf32>
    %reduce_sum3A = arith.constant dense<0.000000e+00> : vector<64xf32>
    %reduce_sum3A_54 = vector.multi_reduction <add>, %exp3A, %reduce_sum3A [1] : vector<64x10xf32> to vector<64xf32>
    %broadcast_in_dim3A_55 = vector.shape_cast %reduce_sum3A_54 : vector<64xf32> to vector<64x1xf32>
    %div3A_56 = vector.broadcast %broadcast_in_dim3A_55 : vector<64x1xf32> to vector<64x10xf32>
    %div3A_57 = arith.divf %exp3A, %div3A_56 : vector<64x10xf32>
    %swap3A = arith.constant 0 : index
    %swap3A_58 = arith.constant 0 : index
    %swap3A_59 = vector.load %arg7[%swap3A, %swap3A_58] : memref<64x10xf32, #tpu.memory_space<vmem>>, vector<64x10xf32>
    tpu.vector_store %arg7[%swap3A, %swap3A_58], %div3A_57 {strides = array<i32>} : memref<64x10xf32, #tpu.memory_space<vmem>>, vector<64x10xf32>,
    return
  }
}

</mosaic_0001>

<sc_bundles>
// kernel: kernel.6.cloned.1.call-start
scs
__scs_entry_jumppad:
0x0: {  	(pc) =	sbr.rel $0x88, $3  }
0x1: {  	(tag) =	ssettag $0x0;
	lr =	simm.s32 $0x1  }
0x2: {  	[smem:$0x3F98] =	sst lr;
	_ =	strace $0xD0000000  }
0x3: {  	_ = 	snop  }
0x4: {  	_ = 	snop  }
0x5: {  	_ = 	snop  }
0x6: {  	_ = 	snop  }
0x7: {  	_ = 	snop  }
__scs_overlays_trampoline_lowered:
0x8: {  	[smem:$0x3FA7] =	sst s0  }
0x9: {  	[smem:$0x3FA8] =	sst s1  }
0xa: {  	[smem:$0x3FA9] =	sst s2  }
0xb: {  	[smem:$0x3FAA] =	sst s3  }
0xc: {  	[smem:$0x3FAB] =	sst s4  }
0xd: {  	[smem:$0x3FAC] =	sst s5  }
0xe: {  	[smem:$0x3FAD] =	sst s6  }
0xf: {  	[smem:$0x3FAE] =	sst s7  }
0x10: {  	[smem:$0x3FAF] =	sst s8  }
0x11: {  	[smem:$0x3FB0] =	sst s9;
	s0 =	simm.s32 @!p0 $0x0  }
0x12: {  	s1 =	sld [smem:$0x3F96];
	s0 =	simm.s32 @p0 $0x1  }
0x13: {  	[smem:$0x3FB1] =	sst s0;
	s0 =	simm.s32 @!p1 $0x0  }
0x14: {  	s2 =	sld [smem:$0x3F95];
	s0 =	simm.s32 @p1 $0x1  }
0x15: {  	[smem:$0x3FB2] =	sst s0;
	s0 =	simm.s32 @!p2 $0x0  }
0x16: {  	s3 =	sld [smem:$0x3FDB];
	s0 =	simm.s32 @p2 $0x1  }
0x17: {  	s4 =	simm.s32 $0x1BF5;
	[smem:$0x3FB4] =	sst s0  }
0x18: {  	s0 =	sld [smem:$0x3F97];
	_ =	swait.ge [sflag:s4], $0x0  }
0x19: {  	s7 =	sld [smem:$0x3F98]  }
0x1a: {  	s8 =	sadd.s32 $0xFFFFE003, lr  }
0x1b: {  	s9 =	sadd.s32 $0xFFFFFEF7, lr;
	s5 =	simm.s32 $0xFFFFFFFF;
	p2 =	slt.u32 s8, $0xFFFFF086  }
0x1c: {  	p1 =	slt.u32 s9, $0xF7A;
	s5 =	simm.s32 @!p2 $0x0  }
0x1d: {  	s5 =	simm.s32 @p1 $0x1;
	p0 =	seq.s32 s7, s2  }
0x1e: {  	s7 =	smul.u32 @!p0 $0xF7A, s2;
	p2 =	seq.s32 @!p0 s5, $0x0  }
0x1f: {  	s9 =	smul.u32 $0xF7A, s1;
	s8 =	simm.s32 @!p0 $0x1BF5;
	p2 =	por !p2, p0  }
0x20: {  	[sflag:s8] =	ssyncset.s32 @!p0 $0xFFFFF086;
	s6 =	sadd.s32 @!p0 s3, s7;
	s7 =	simm.s32 @!p0 $0x108  }
0x21: {  	s3 =	sadd.s32 s3, s9;
	s6 =	sadd.s32 @!p0 $0x88, s6;
	s7 =	simm.s32 @p2 $0x1082  }
0x22: {  	[simem:s7], [sflag:s8] =	dma.local @!p0 [hbm:s6], $0xF7A  }
0x23: {  	s9 =	sor.u32 $0xD0000000, s2;
	s6 =	simm.s32 $0x108;
	_ =	swait.ge @!p0 [sflag:s8], $0x0  }
0x24: {  	s3 =	sadd.s32 $0x88, s3;
	s6 =	simm.s32 @!p1 $0x1082;
	[sflag:s4] =	ssyncset.s32 $0xFFFFF086  }
0x25: {  	[simem:s6], [sflag:s4] =	dma.local [hbm:s3], $0xF7A  }
0x26: {  	[smem:$0x3F98] =	sst s1;
	(tag) =	ssettag s2;
	_ =	strace s9  }
0x27: {  	s1 =	sld [smem:$0x3FA8]  }
0x28: {  	s2 =	sld [smem:$0x3FA9]  }
0x29: {  	s4 =	sld [smem:$0x3FAB]  }
0x2a: {  	p0 =	seq.s32 s5, $0x0;
	s5 =	sld [smem:$0x3FAC]  }
0x2b: {  	s6 =	sld [smem:$0x3FAD]  }
0x2c: {  	s7 =	sld [smem:$0x3FAE]  }
0x2d: {  	s3 =	simm.s32 $0x108;
	s8 =	sld [smem:$0x3FAF]  }
0x2e: {  	s3 =	simm.s32 @!p0 $0x1082;
	s9 =	sld [smem:$0x3FB0]  }
0x2f: {  	lr =	sadd.s32 s0, s3;
	s0 =	sld [smem:$0x3FA7]  }
0x30: {  	s3 =	sld [smem:$0x3FAA]  }
0x31: {  	[smem:$0x3FB3] =	sst s10  }
0x32: {  	s10 =	sld [smem:$0x3FB1];
	_ =	sdelay $0x3  }
0x33: {  	p0 =	seq.s32 s10, $0x1;
	s10 =	sld [smem:$0x3FB3];
	_ =	sdelay $0x3  }
0x34: {  	[smem:$0x3FB3] =	sst s10  }
0x35: {  	s10 =	sld [smem:$0x3FB2];
	_ =	sdelay $0x3  }
0x36: {  	p1 =	seq.s32 s10, $0x1;
	s10 =	sld [smem:$0x3FB3];
	_ =	sdelay $0x3  }
0x37: {  	[smem:$0x3FB3] =	sst s10  }
0x38: {  	s10 =	sld [smem:$0x3FB4]  }
0x39: {  	_ = 	snop;
	(pc) =	sbr.ind lr, $3  }
0x3a: {  	_ = 	snop  }
0x3b: {  	_ = 	snop  }
0x3c: {  	p2 =	seq.s32 s10, $0x1;
	s10 =	sld [smem:$0x3FB3]  }
0x3d: {  	_ =	shalt  }
0x3e: {  	_ =	shalt  }
0x3f: {  	_ =	shalt  }
0x40: {  	_ =	shalt  }
0x41: {  	_ =	shalt  }
0x42: {  	_ =	shalt  }
0x43: {  	_ =	shalt  }
0x44: {  	_ =	shalt  }
0x45: {  	_ =	shalt  }
0x46: {  	_ =	shalt  }
0x47: {  	_ =	shalt  }
0x48: {  	_ =	shalt  }
0x49: {  	_ =	shalt  }
0x4a: {  	_ =	shalt  }
0x4b: {  	_ =	shalt  }
0x4c: {  	_ =	shalt  }
0x4d: {  	_ =	shalt  }
0x4e: {  	_ =	shalt  }
0x4f: {  	_ =	shalt  }
0x50: {  	_ =	shalt  }
0x51: {  	_ =	shalt  }
0x52: {  	_ =	shalt  }
0x53: {  	_ =	shalt  }
0x54: {  	_ =	shalt  }
0x55: {  	_ =	shalt  }
0x56: {  	_ =	shalt  }
0x57: {  	_ =	shalt  }
0x58: {  	_ =	shalt  }
0x59: {  	_ =	shalt  }
0x5a: {  	_ =	shalt  }
0x5b: {  	_ =	shalt  }
0x5c: {  	_ =	shalt  }
0x5d: {  	_ =	shalt  }
0x5e: {  	_ =	shalt  }
0x5f: {  	_ =	shalt  }
0x60: {  	_ =	shalt  }
0x61: {  	_ =	shalt  }
0x62: {  	_ =	shalt  }
0x63: {  	_ =	shalt  }
0x64: {  	_ =	shalt  }
0x65: {  	_ =	shalt  }
0x66: {  	_ =	shalt  }
0x67: {  	_ =	shalt  }
0x68: {  	_ =	shalt  }
0x69: {  	_ =	shalt  }
0x6a: {  	_ =	shalt  }
0x6b: {  	_ =	shalt  }
0x6c: {  	_ =	shalt  }
0x6d: {  	_ =	shalt  }
0x6e: {  	_ =	shalt  }
0x6f: {  	_ =	shalt  }
0x70: {  	_ =	shalt  }
0x71: {  	_ =	shalt  }
0x72: {  	_ =	shalt  }
0x73: {  	_ =	shalt  }
0x74: {  	_ =	shalt  }
0x75: {  	_ =	shalt  }
0x76: {  	_ =	shalt  }
0x77: {  	_ =	shalt  }
0x78: {  	_ =	shalt  }
0x79: {  	_ =	shalt  }
0x7a: {  	_ =	shalt  }
0x7b: {  	_ =	shalt  }
0x7c: {  	_ =	shalt  }
0x7d: {  	_ =	shalt  }
0x7e: {  	_ =	shalt  }
0x7f: {  	_ =	shalt  }
0x80: {  	_ =	shalt  }
0x81: {  	_ =	shalt  }
0x82: {  	_ =	shalt  }
0x83: {  	_ =	shalt  }
0x84: {  	_ =	shalt  }
0x85: {  	_ =	shalt  }
0x86: {  	_ =	shalt  }
0x87: {  	_ =	shalt  }
.Lfunc_end0:
.L_simem_size_0:
called_computation_lowered:
.L_overlay_start_0:
0x88: {  	s2 =	sld [smem:$0x3FD9]  }
0x89: {  	s3 =	sld [smem:$0x3FFE];
	_ =	sdelay $0x1  }
0x8a: {  	s1 =	srdreg.scid  }
0x8b: {  	s0 =	sand.u32 $0x1, s1  }
0x8c: {  	s16 =	sshll.u32 s0, $0xA;
	s2 =	sadd.s32 s3, s2  }
0x8d: {  	s2 =	sadd.s32 s2, s16  }
0x8e: {  	[smem:$0x3FBF] =	sst s2  }
0x8f: {  	_ = 	snop  }
0x90: {  	(tm) =	ssettm $0x1  }
0x91: {  	s17 =	sld [smem:$0x3FFB];
	_ =	sdelay $0x3  }
0x92: {  	_ =	strace s17  }
0x93: {  	s2 =	sld [smem:$0x3FFC];
	_ =	sdelay $0x3  }
0x94: {  	_ =	strace s2  }
0x95: {  	s2 =	sld [smem:$0x3FFD];
	_ =	sdelay $0x3  }
0x96: {  	_ =	strace s2  }
0x97: {  	_ =	strace $0x8FFFFFFF  }
0x98: {  	s18 =	sld [smem:$0x3FDB];
	_ =	sdelay $0x1  }
0x99: {  	s19 =	simm.s32 $_scs_section_size  }
0x9a: {  	s4 =	simm.s32 $_size__tile_overlayer_lowered;
	s5 =	simm.s32 $_tile_overlayer_lowered  }
0x9b: {  	s22 =	simm.s32 $0x1BFF;
	s21 =	sshll.u32 s5, $0x1;
	s2 =	sadd.s32 s19, s18  }
0x9c: {  	s6 =	simm.s32 $0x0;
	s20 =	sshll.u32 s4, $0x1;
	s4 =	sadd.s32 s21, s2  }
0x9d: {  	[timem:s6], [sflag:s22] =	dma.local [hbm:s4], s20  }
0x9e: {  	_ =	swait.ge [sflag:s22], s20  }
0x9f: {  	s3 =	ssub.s32 $0x0, s20;
	[sflag:s22] =	ssyncset.done $0x0  }
0xa0: {  	[sflag:s22] =	ssyncadd.s32 s3;
	_ =	sdelay $0x1  }
0xa1: {  	s23 =	simm.s32 $0x1B8B  }
0xa2: {  	_ =	swait.ge [sflag:s23], $0x1  }
0xa3: {  	[sflag:s23] =	ssyncset.done $0x0  }
0xa4: {  	s25 =	simm.s32 $0x1B8E;
	s24 =	sld [smem:$0x3FFE];
	[sflag:s23] =	ssyncadd.s32 $0xFFFFFFFF  }
0xa5: {  	s26 =	simm.s32 $execute0_lowered;
	[smem:$0x3FD2] =	sst s25  }
0xa6: {  	s4 =	sshll.u32 s26, $0x1;
	_ =	strace $0x80000046;
	[dreg:$0x1] =	wrdreg $0xFFFFFFFF  }
0xa7: {  	s28 =	simm.s32 $_size_execute0_lowered;
	s2 =	sadd.s32 s2, s4;
	[dreg:$0x0] =	wrdreg $0x0  }
0xa8: {  	s4 =	sshll.u32 s28, $0x1;
	[dreg:$0x2] =	wrdreg s2  }
0xa9: {  	[dreg:$0x3] =	wrdreg s4  }
0xaa: {  	[dreg:$0x4] =	wrdreg $0xC0  }
0xab: {  	_ =	task [dreg:s6], $0x5FFFF  }
0xac: {  	[dreg:$0x1] =	wrdreg $0xFFFFFFFF  }
0xad: {  	[dreg:$0x0] =	wrdreg $0x60  }
0xae: {  	[dreg:$0x2] =	wrdreg s24  }
0xaf: {  	[dreg:$0x3] =	wrdreg $0x42000  }
0xb0: {  	[dreg:$0x4] =	wrdreg $0xDE400  }
0xb1: {  	[dreg:$0x5] =	wrdreg $0x9  }
0xb2: {  	_ =	task.clear_ibuf [dreg:s6], $0x6FFFF;
	_ =	strace $0x90000046  }
0xb3: {  	s29 =	simm.s32 $0x9;
	_ =	strace $0x80000048  }
0xb4: {  	_ =	swait.ge [sflag:s29], $0x1  }
0xb5: {  	[sflag:s29] =	ssyncadd.s32 $0xFFFFFFFF  }
0xb6: {  	_ =	strace $0x90000048  }
0xb7: {  	_ =	sfence  }
0xb8: {  	s30 =	sld [smem:$0x0];
	_ =	sdelay $0x2  }
0xb9: {  	s31 =	sshll.u32 s1, $0xD;
	s1 =	sshrl.u32 s1, $0x2  }
0xba: {  	s3 =	sand.u32 $0x4000, s31;
	s1 =	sadd.s32 s1, s30  }
0xbb: {  	s0 =	sor.u32 s3, s0;
	s1 =	sshll.u32 s1, $0x11  }
0xbc: {  	s0 =	sor.u32 s1, s0  }
0xbd: {  	s0 =	sadd.s32 $0x8F2B, s0  }
0xbe: {  	[sflag:s0] =	ssyncadd.remote.s32 $0x1  }
0xbf: {  	_ =	sfence.sel $0xFFFF  }
0xc0: {  	[dreg:$0x0] =	wrdreg $0xFFFFFFFF;
	(pc) =	sbr.abs _section_cstart, $3  }
0xc1: {  	[dreg:$0x1] =	wrdreg $0xFFFFFFFF  }
0xc2: {  	_ =	task.clear_ibuf [dreg:s6], $0x2FFFF;
	_ =	strace $0x9FFFFFFF  }
0xc3: {  	(tm) =	ssettm $0x7FFFFFFF  }
tec
execute0_lowered:
.L_overlay_start_1:
0x0: {  	(tag) =	ssettag $0x1  }
0x1: {  	s0 =	rddreg [dreg:$0x0]  }
0x2: {  	s1 =	rddreg [dreg:$0x1]  }
0x3: {  	s3 =	rddreg [dreg:$0x2];
	s4 =	simm.s32 $0x0  }
0x4: {  	s2 =	stileid.u32;
	s6 =	srdreg.scid;
	s28 =	simm.s32 $0x7  }
0x5: {  	s29 =	simm.s32 $0x8;
	s30 =	simm.s32 $0x0;
	s11 =	smul.u32 $0x9E00, s2  }
0x6: {  	[smem:$0x7FF] =	sst s4;
	s5 =	sadd.s32 $0x1A00, s0;
	s24 =	smul.u32 $0x4F00, s2  }
0x7: {  	s14 =	sadd.s32 $0x32A00, s0;
	s15 =	sadd.s32 $0x28C00, s0;
	s13 =	smul.u32 $0x27800, s2  }
0x8: {  	s8 =	sand.u32 $0x1, s6;
	s17 =	smul.u32 $0x13C0, s2;
	p0 =	seq.s32 s2, $0xF  }
0x9: {  	_ =	strace $0x80000047;
	s25 =	ssub.s32 $0x2, s8;
	s26 =	smul.u32 $0x13880, s8  }
0xa: {  	s18 =	smul.u32 $0x9C400, s8;
	s7 =	sshrl.u32 s11, $0x3;
	s9 =	sshrl.u32 s25, $0x1  }
0xb: {  	s10 =	sshrl.u32 s24, $0x3;
	s13 =	sshrl.u32 s13, $0x2;
	s24 =	smul.u32 $0x9E0, s2  }
0xc: {  	s12 =	sadd.s32 s7, s0;
	s0 =	sadd.s32 $0x50400, s0;
	s16 =	ssub.s32 s25, s9  }
0xd: {  	s6 =	sadd.s32 s14, s10;
	s31 =	sadd.s32 s15, s10;
	s10 =	sor.u32 $0x10, s10  }
0xe: {  	s20 =	sadd.s32 s13, s1;
	s9 =	sadd.s32 s17, s26;
	s21 =	sshrl.u32 s18, $0x3  }
0xf: {  	s23 =	sadd.s32 s11, s18;
	s11 =	sadd.s32 s11, s3;
	[dreg:$0x6] =	wrdreg s6  }
0x10: {  	s17 =	simm.s32 $0x80;
	s18 =	simm.s32 $0x180;
	[dreg:$0x7] =	wrdreg s31  }
0x11: {  	s7 =	sadd.s32 s14, s10;
	s10 =	sadd.s32 s15, s10;
	s19 =	sadd.s32 s5, s9  }
0x12: {  	s22 =	sadd.s32 $0x12840, s21;
	s25 =	sshrl.u32 s23, $0x3;
	s12 =	sadd.s32 $0x3C800, s12  }
0x13: {  	s26 =	sadd.s32 s24, s14;
	s31 =	sadd.s32 s24, s15;
	s15 =	smax.u32 s16, $0x1  }
0x14: {  	s20 =	sshrl.u32 @!p0 s20, $0x3;
	s21 =	simm.s32 $0x9;
	[dreg:$0x8] =	wrdreg s7  }
0x15: {  	s23 =	simm.s32 $0x2200;
	s24 =	simm.s32 $0x5;
	[dreg:$0x9] =	wrdreg s10  }
0x16: {  	[dreg:$0xa] =	wrdreg s19;
	s19 =	sadd.s32 $0x94200, s1;
	s10 =	sadd.s32 s5, s22  }
0x17: {  	s13 =	sadd.s32 s0, s25;
	s14 =	sadd.s32 s0, s22;
	[dreg:$0x5] =	wrdreg s26  }
0x18: {  	s5 =	sadd.s32 $0x94200, s3;
	[dreg:$0x4] =	wrdreg s31;
	s22 =	simm.s32 $0x2  }
0x19: {  	s26 =	simm.s32 $0x4;
	s19 =	sshrl.u32 @p0 s19, $0x3;
	s25 =	sshrl.u32 @p0 s5, $0x3  }
.LBB2_1:
0x1a: {  	s0 =	rddreg [dreg:$0x6]  }
0x1b: {  	[tilespmem:s4], [sflag:$0x1] =	stream.linear.gather [hbm4b:s0+s4], $0x80, $0x38;
	[tilespmem:$0x17C40] =	vst v63  }
0x1c: {  	s6 =	rddreg [dreg:$0x7];
	s2 =	simm.s32 $0x100  }
0x1d: {  	[tilespmem:s2], [sflag:$0x3] =	stream.linear.gather [hbm4b:s6+s4], $0x80, $0x38;
	[tilespmem:$0x17C40] =	vst v63  }
0x1e: {  	s7 =	rddreg [dreg:$0x8]  }
0x1f: {  	[tilespmem:s17], [sflag:$0x2] =	stream.linear.gather [hbm4b:s7+s4], $0x80, $0x38;
	[tilespmem:$0x17C40] =	vst v63  }
0x20: {  	s8 =	rddreg [dreg:$0x9];
	s0 =	simm.s32 @p0 $0x1FC9  }
0x21: {  	[tilespmem:s18], [sflag:$0x4] =	stream.linear.gather [hbm4b:s8+s4], $0x80, $0x38;
	[tilespmem:$0x17C40] =	vst v63  }
0x22: {  	[spmem:s19], [sflag:s0] =	dma.local @p0 [hbm:s10], $0x1040  }
0x23: {  	s0 =	simm.s32 @p0 $0x9  }
0x24: {  	s2 =	stileid.u32;
	_ =	swait.ge @p0 [sflag:s0], $0x1040  }
0x25: {  	s5 =	sshll.u32 @!p0 s2, $0x6;
	[sflag:s0] =	ssyncset.done @p0 $0x0  }
0x26: {  	[sflag:s0] =	ssyncadd.s32 @p0 $0xFFFFEFC0;
	s0 =	sor.u32 @!p0 $0x1C09, s5;
	s5 =	rddreg [dreg:$0xa]  }
0x27: {  	[spmem:s20], [sflag:s0] =	dma.local @!p0 [hbm:s5], $0x13C0  }
0x28: {  	s0 =	simm.s32 @!p0 $0x9  }
0x29: {  	_ =	swait.ge @!p0 [sflag:s0], $0x13C0  }
0x2a: {  	s9 =	sshll.u32 s2, $0x6;
	[sflag:s0] =	ssyncset.done @!p0 $0x0  }
0x2b: {  	s16 =	sshrl.u32 s11, $0x3;
	s31 =	sor.u32 $0x1C09, s9;
	[sflag:s0] =	ssyncadd.s32 @!p0 $0xFFFFEC40  }
0x2c: {  	[spmem:s16], [sflag:s31] =	dma.local [hbm:s12], $0x13C0  }
0x2d: {  	_ =	swait.ge [sflag:s21], $0x13C0  }
0x2e: {  	[sflag:s21] =	ssyncset.done $0x0  }
0x2f: {  	p1 =	por $0x1, $0x1;
	[sflag:s21] =	ssyncadd.s32 $0xFFFFEC40  }
0x30: {  	s0 =	simm.s32 @p1 $0x1;
	[bflag:$0x0] =	sbarrier.arrive $0xFFFF  }
0x31: {  	_ =	swait.ge @p1 [sflag:s0], $0x80  }
0x32: {  	s6 =	simm.s32 @p1 $0x0;
	s5 =	simm.s32 @p1 $0x200;
	[sflag:s0] =	ssyncset.done @p1 $0x0  }
0x33: {  	s16 =	simm.s32 @!p1 $0x7;
	[sflag:s0] =	ssyncadd.s32 @p1 $0xFFFFFF80;
	s0 =	simm.s32 @p1 $0x80  }
0x34: {  	[tilespmem:s5], [sflag:$0x5] =	stream.indirect.gather @p1 [spmem:s1], $0x40, s6, s0, $0xb8;
	[tilespmem:$0x17C40] =	vst v63  }
0x35: {  	s5 =	simm.s32 @!p1 $0x1;
	_ =	swait.ge @!p1 [sflag:s16], $0x2000  }
0x36: {  	s6 =	simm.s32 @!p1 $0x0;
	s0 =	rddreg [dreg:$0x4];
	[sflag:s16] =	ssyncset.done @!p1 $0x0  }
0x37: {  	[sflag:s16] =	ssyncadd.s32 @!p1 $0xFFFFE000;
	s0 =	sadd.s32 @!p1 $0x0, s0;
	s16 =	simm.s32 @!p1 $0x100  }
0x38: {  	[tilespmem:s16], [sflag:$0x3] =	stream.linear.gather @!p1 [hbm4b:s0+s6], $0x80, $0x38;
	[tilespmem:$0x17C40] =	vst v63  }
0x39: {  	_ =	swait.ge @!p1 [sflag:s5], $0x80  }
0x3a: {  	s7 =	simm.s32 @!p1 $0x200;
	[sflag:s5] =	ssyncset.done @!p1 $0x0  }
0x3b: {  	s16 =	simm.s32 @!p1 $0x8;
	[sflag:s5] =	ssyncadd.s32 @!p1 $0xFFFFFF80;
	s5 =	simm.s32 @!p1 $0x80  }
0x3c: {  	[tilespmem:s7], [sflag:$0x5] =	stream.indirect.gather @!p1 [spmem:s1], $0x40, s6, s5, $0xb8;
	[tilespmem:$0x17C40] =	vst v63  }
0x3d: {  	_ =	swait.ge @!p1 [sflag:s16], $0x2000  }
0x3e: {  	[sflag:s16] =	ssyncset.done @!p1 $0x0  }
0x3f: {  	s0 =	sadd.s32 @!p1 $0x10, s0;
	s5 =	simm.s32 @!p1 $0x180;
	[sflag:s16] =	ssyncadd.s32 @!p1 $0xFFFFE000  }
0x40: {  	[tilespmem:s5], [sflag:$0x4] =	stream.linear.gather @!p1 [hbm4b:s0+s6], $0x80, $0x38;
	[tilespmem:$0x17C40] =	vst v63  }
0x41: {  	_ =	swait.ge [sflag:s22], $0x80  }
0x42: {  	[sflag:s22] =	ssyncset.done $0x0  }
0x43: {  	[sflag:s22] =	ssyncadd.s32 $0xFFFFFF80  }
0x44: {  	[tilespmem:s23], [sflag:$0x6] =	stream.indirect.gather [spmem:s1], $0x40, s17, s17, $0xb8;
	[tilespmem:$0x17C40] =	vst v63  }
0x45: {  	_ =	swait.ge [sflag:s24], $0x2000  }
0x46: {  	p1 =	por $0x0, $0x0;
	[sflag:s24] =	ssyncset.done $0x0  }
0x47: {  	s0 =	simm.s32 @p1 $0x3;
	[sflag:s24] =	ssyncadd.s32 $0xFFFFE000  }
0x48: {  	_ =	swait.ge @p1 [sflag:s0], $0x80  }
0x49: {  	s5 =	simm.s32 @p1 $0x200;
	s6 =	simm.s32 @p1 $0x6;
	[sflag:s0] =	ssyncset.done @p1 $0x0  }
0x4a: {  	s7 =	simm.s32 @p1 $0x100;
	[sflag:s0] =	ssyncadd.s32 @p1 $0xFFFFFF80;
	s0 =	simm.s32 @p1 $0x80  }
0x4b: {  	[spmem:s3] =	stream.indirect.scatter.add.f32 @p1 [tilespmem:s5], [sflag:$0x7], $0x40, s7, s0, $0xb8;
	[tilespmem:$0x17C40] =	vst v63  }
0x4c: {  	_ =	swait.ge @p1 [sflag:s6], $0x2000  }
0x4d: {  	s0 =	rddreg [dreg:$0x5]  }
0x4e: {  	s5 =	simm.s32 @!p1 $0x3;
	[sflag:s6] =	ssyncset.done @p1 $0x0;
	s0 =	sadd.s32 @!p1 $0x0, s0  }
0x4f: {  	s7 =	simm.s32 @!p1 $0x0;
	[sflag:s6] =	ssyncadd.s32 @p1 $0xFFFFE000;
	s6 =	sadd.s32 @!p1 $0x20, s0  }
0x50: {  	[tilespmem:s7], [sflag:$0x1] =	stream.linear.gather @!p1 [hbm4b:s6+s7], $0x80, $0x38;
	[tilespmem:$0x17C40] =	vst v63  }
0x51: {  	_ =	swait.ge @!p1 [sflag:s5], $0x80  }
0x52: {  	s16 =	simm.s32 @!p1 $0x100;
	[sflag:s5] =	ssyncset.done @!p1 $0x0  }
0x53: {  	s6 =	simm.s32 @!p1 $0x200;
	[sflag:s5] =	ssyncadd.s32 @!p1 $0xFFFFFF80;
	s5 =	simm.s32 @!p1 $0x80  }
0x54: {  	[spmem:s3] =	stream.indirect.scatter.add.f32 @!p1 [tilespmem:s6], [sflag:$0x7], $0x40, s16, s5, $0xb8;
	[tilespmem:$0x17C40] =	vst v63  }
0x55: {  	s6 =	simm.s32 @!p1 $0x6  }
0x56: {  	_ =	swait.ge @!p1 [sflag:s6], $0x2000  }
0x57: {  	[sflag:s6] =	ssyncset.done @!p1 $0x0  }
0x58: {  	s0 =	sadd.s32 @!p1 $0x30, s0;
	[sflag:s6] =	ssyncadd.s32 @!p1 $0xFFFFE000  }
0x59: {  	[tilespmem:s5], [sflag:$0x2] =	stream.linear.gather @!p1 [hbm4b:s0+s7], $0x80, $0x38;
	[tilespmem:$0x17C40] =	vst v63  }
0x5a: {  	p2 =	por $0x0, $0x0;
	_ =	swait.ge [sflag:s26], $0x80  }
0x5b: {  	s16 =	simm.s32 $0x40;
	s0 =	simm.s32 $0x20;
	[sflag:s26] =	ssyncset.done $0x0  }
.LBB2_2:
0x5c: {  	s6 =	simm.s32 @p2 $0x1;
	[sflag:s26] =	ssyncadd.s32 $0xFFFFFF80  }
0x5d: {  	[spmem:s3] =	stream.indirect.scatter.add.f32 [tilespmem:s23], [sflag:$0x8], $0x40, s18, s17, $0xb8;
	[tilespmem:$0x17C40] =	vst v63  }
0x5e: {  	_ =	swait.ge @p2 [sflag:s6], $0x80  }
0x5f: {  	s7 =	simm.s32 @p2 $0x200;
	s8 =	simm.s32 @!p2 $0x7;
	[sflag:s6] =	ssyncset.done @p2 $0x0  }
0x60: {  	s9 =	simm.s32 @p2 $0x0;
	[sflag:s6] =	ssyncadd.s32 @p2 $0xFFFFFF80;
	s6 =	simm.s32 @p2 $0x80  }
0x61: {  	[tilespmem:s7], [sflag:$0x5] =	stream.indirect.gather @p2 [spmem:s1], $0x40, s9, s6, $0xb8;
	[tilespmem:$0x17C40] =	vst v63  }
0x62: {  	s7 =	simm.s32 @!p2 $0x1;
	_ =	swait.ge @!p2 [sflag:s8], $0x2000  }
0x63: {  	s9 =	simm.s32 @!p2 $0x100;
	[sflag:s8] =	ssyncset.done @!p2 $0x0;
	s6 =	rddreg [dreg:$0x4]  }
0x64: {  	[sflag:s8] =	ssyncadd.s32 @!p2 $0xFFFFE000;
	s6 =	sadd.s32 @!p2 s0, s6;
	s8 =	simm.s32 @!p2 $0x0  }
0x65: {  	[tilespmem:s9], [sflag:$0x3] =	stream.linear.gather @!p2 [hbm4b:s6+s8], $0x80, $0x38;
	[tilespmem:$0x17C40] =	vst v63  }
0x66: {  	_ =	swait.ge @!p2 [sflag:s7], $0x80  }
0x67: {  	s2 =	simm.s32 @!p2 $0x200;
	[sflag:s7] =	ssyncset.done @!p2 $0x0  }
0x68: {  	s9 =	simm.s32 @!p2 $0x8;
	[sflag:s7] =	ssyncadd.s32 @!p2 $0xFFFFFF80;
	s7 =	simm.s32 @!p2 $0x80  }
0x69: {  	[tilespmem:s2], [sflag:$0x5] =	stream.indirect.gather @!p2 [spmem:s1], $0x40, s8, s7, $0xb8;
	[tilespmem:$0x17C40] =	vst v63  }
0x6a: {  	_ =	swait.ge @!p2 [sflag:s9], $0x2000  }
0x6b: {  	[sflag:s9] =	ssyncset.done @!p2 $0x0  }
0x6c: {  	s6 =	sadd.s32 @!p2 $0x10, s6;
	s2 =	simm.s32 @!p2 $0x180;
	[sflag:s9] =	ssyncadd.s32 @!p2 $0xFFFFE000  }
0x6d: {  	[tilespmem:s2], [sflag:$0x4] =	stream.linear.gather @!p2 [hbm4b:s6+s8], $0x80, $0x38;
	[tilespmem:$0x17C40] =	vst v63  }
0x6e: {  	_ =	swait.ge [sflag:s22], $0x80  }
0x6f: {  	[sflag:s22] =	ssyncset.done $0x0  }
0x70: {  	[sflag:s22] =	ssyncadd.s32 $0xFFFFFF80  }
0x71: {  	[tilespmem:s23], [sflag:$0x6] =	stream.indirect.gather [spmem:s1], $0x40, s17, s17, $0xb8;
	[tilespmem:$0x17C40] =	vst v63  }
0x72: {  	_ =	swait.ge [sflag:s24], $0x2000  }
0x73: {  	p2 =	seq.s32 s0, $0x9C0;
	[sflag:s24] =	ssyncset.done $0x0  }
0x74: {  	s2 =	simm.s32 @p2 $0x3;
	[sflag:s24] =	ssyncadd.s32 $0xFFFFE000  }
0x75: {  	_ =	swait.ge @p2 [sflag:s2], $0x80  }
0x76: {  	s6 =	simm.s32 @p2 $0x200;
	s7 =	simm.s32 @p2 $0x6;
	[sflag:s2] =	ssyncset.done @p2 $0x0  }
0x77: {  	s8 =	simm.s32 @p2 $0x100;
	[sflag:s2] =	ssyncadd.s32 @p2 $0xFFFFFF80;
	s2 =	simm.s32 @p2 $0x80  }
0x78: {  	[spmem:s3] =	stream.indirect.scatter.add.f32 @p2 [tilespmem:s6], [sflag:$0x7], $0x40, s8, s2, $0xb8;
	[tilespmem:$0x17C40] =	vst v63  }
0x79: {  	_ =	swait.ge @p2 [sflag:s7], $0x2000  }
0x7a: {  	s5 =	smov.u32 s16;
	s2 =	rddreg [dreg:$0x5]  }
0x7b: {  	s6 =	simm.s32 @!p2 $0x3;
	[sflag:s7] =	ssyncset.done @p2 $0x0;
	s2 =	sadd.s32 @!p2 s0, s2  }
0x7c: {  	[sflag:s7] =	ssyncadd.s32 @p2 $0xFFFFE000;
	s7 =	simm.s32 @!p2 $0x0;
	s0 =	sadd.s32 @!p2 $0x20, s2  }
0x7d: {  	[tilespmem:s7], [sflag:$0x1] =	stream.linear.gather @!p2 [hbm4b:s0+s7], $0x80, $0x38;
	[tilespmem:$0x17C40] =	vst v63  }
0x7e: {  	s16 =	sadd.s32 $0x20, s16;
	s9 =	simm.s32 @!p2 $0x100;
	_ =	swait.ge @!p2 [sflag:s6], $0x80  }
0x7f: {  	s8 =	simm.s32 @!p2 $0x6;
	s0 =	smov.u32 s5;
	[sflag:s6] =	ssyncset.done @!p2 $0x0  }
0x80: {  	s5 =	simm.s32 @!p2 $0x200;
	[sflag:s6] =	ssyncadd.s32 @!p2 $0xFFFFFF80;
	s6 =	simm.s32 @!p2 $0x80  }
0x81: {  	[spmem:s3] =	stream.indirect.scatter.add.f32 @!p2 [tilespmem:s5], [sflag:$0x7], $0x40, s9, s6, $0xb8;
	[tilespmem:$0x17C40] =	vst v63  }
0x82: {  	p1 =	sne.s32 s16, $0x9E0;
	_ =	swait.ge @!p2 [sflag:s8], $0x2000  }
.Ltmp0:
0x83: {  	[sflag:s8] =	ssyncset.done @!p2 $0x0;
	(pc) =	sbr.rel @p1 .LBB2_2-.Ltmp0, $4  }
0x84: {  	s2 =	sadd.s32 @!p2 $0x30, s2;
	[sflag:s8] =	ssyncadd.s32 @!p2 $0xFFFFE000  }
0x85: {  	[tilespmem:s6], [sflag:$0x2] =	stream.linear.gather @!p2 [hbm4b:s2+s7], $0x80, $0x38;
	[tilespmem:$0x17C40] =	vst v63  }
0x86: {  	_ =	swait.ge [sflag:s26], $0x80  }
0x87: {  	p2 =	seq.s32 s0, $0x0;
	[sflag:s26] =	ssyncset.done $0x0  }
0x88: {  	s2 =	simm.s32 @p2 $0x1;
	[sflag:s26] =	ssyncadd.s32 $0xFFFFFF80  }
0x89: {  	[spmem:s3] =	stream.indirect.scatter.add.f32 [tilespmem:s23], [sflag:$0x8], $0x40, s18, s17, $0xb8;
	[tilespmem:$0x17C40] =	vst v63  }
0x8a: {  	_ =	swait.ge @p2 [sflag:s2], $0x80  }
0x8b: {  	s5 =	simm.s32 @p2 $0x200;
	s6 =	simm.s32 @!p2 $0x7;
	[sflag:s2] =	ssyncset.done @p2 $0x0  }
0x8c: {  	s7 =	simm.s32 @p2 $0x0;
	[sflag:s2] =	ssyncadd.s32 @p2 $0xFFFFFF80;
	s2 =	simm.s32 @p2 $0x80  }
0x8d: {  	[tilespmem:s5], [sflag:$0x5] =	stream.indirect.gather @p2 [spmem:s1], $0x40, s7, s2, $0xb8;
	[tilespmem:$0x17C40] =	vst v63  }
0x8e: {  	s5 =	simm.s32 @!p2 $0x1;
	_ =	swait.ge @!p2 [sflag:s6], $0x2000  }
0x8f: {  	s7 =	simm.s32 @!p2 $0x100;
	s2 =	rddreg [dreg:$0x4];
	[sflag:s6] =	ssyncset.done @!p2 $0x0  }
0x90: {  	[sflag:s6] =	ssyncadd.s32 @!p2 $0xFFFFE000;
	s2 =	sadd.s32 @!p2 s0, s2;
	s6 =	simm.s32 @!p2 $0x0  }
0x91: {  	[tilespmem:s7], [sflag:$0x3] =	stream.linear.gather @!p2 [hbm4b:s2+s6], $0x80, $0x38;
	[tilespmem:$0x17C40] =	vst v63  }
0x92: {  	_ =	swait.ge @!p2 [sflag:s5], $0x80  }
0x93: {  	s8 =	simm.s32 @!p2 $0x200;
	[sflag:s5] =	ssyncset.done @!p2 $0x0  }
0x94: {  	s7 =	simm.s32 @!p2 $0x8;
	[sflag:s5] =	ssyncadd.s32 @!p2 $0xFFFFFF80;
	s5 =	simm.s32 @!p2 $0x80  }
0x95: {  	[tilespmem:s8], [sflag:$0x5] =	stream.indirect.gather @!p2 [spmem:s1], $0x40, s6, s5, $0xb8;
	[tilespmem:$0x17C40] =	vst v63  }
0x96: {  	_ =	swait.ge @!p2 [sflag:s7], $0x2000  }
0x97: {  	[sflag:s7] =	ssyncset.done @!p2 $0x0  }
0x98: {  	s2 =	sadd.s32 @!p2 $0x10, s2;
	s5 =	simm.s32 @!p2 $0x180;
	[sflag:s7] =	ssyncadd.s32 @!p2 $0xFFFFE000  }
0x99: {  	[tilespmem:s5], [sflag:$0x4] =	stream.linear.gather @!p2 [hbm4b:s2+s6], $0x80, $0x38;
	[tilespmem:$0x17C40] =	vst v63  }
0x9a: {  	_ =	swait.ge [sflag:s22], $0x80  }
0x9b: {  	[sflag:s22] =	ssyncset.done $0x0  }
0x9c: {  	[sflag:s22] =	ssyncadd.s32 $0xFFFFFF80  }
0x9d: {  	[tilespmem:s23], [sflag:$0x6] =	stream.indirect.gather [spmem:s1], $0x40, s17, s17, $0xb8;
	[tilespmem:$0x17C40] =	vst v63  }
0x9e: {  	_ =	swait.ge [sflag:s24], $0x2000  }
0x9f: {  	p1 =	seq.s32 s0, $0x9C0;
	[sflag:s24] =	ssyncset.done $0x0  }
0xa0: {  	s2 =	simm.s32 @p1 $0x3;
	[sflag:s24] =	ssyncadd.s32 $0xFFFFE000  }
0xa1: {  	_ =	swait.ge @p1 [sflag:s2], $0x80  }
0xa2: {  	s7 =	simm.s32 @p1 $0x100;
	s5 =	simm.s32 @p1 $0x200;
	[sflag:s2] =	ssyncset.done @p1 $0x0  }
0xa3: {  	s6 =	simm.s32 @p1 $0x6;
	[sflag:s2] =	ssyncadd.s32 @p1 $0xFFFFFF80;
	s2 =	simm.s32 @p1 $0x80  }
0xa4: {  	[spmem:s3] =	stream.indirect.scatter.add.f32 @p1 [tilespmem:s5], [sflag:$0x7], $0x40, s7, s2, $0xb8;
	[tilespmem:$0x17C40] =	vst v63  }
0xa5: {  	_ =	swait.ge @p1 [sflag:s6], $0x2000  }
0xa6: {  	s2 =	rddreg [dreg:$0x5]  }
0xa7: {  	[sflag:s6] =	ssyncset.done @p1 $0x0;
	s0 =	sadd.s32 @!p1 s0, s2;
	s2 =	simm.s32 @!p1 $0x3  }
0xa8: {  	[sflag:s6] =	ssyncadd.s32 @p1 $0xFFFFE000;
	s6 =	simm.s32 @!p1 $0x0;
	s5 =	sadd.s32 @!p1 $0x20, s0  }
0xa9: {  	[tilespmem:s6], [sflag:$0x1] =	stream.linear.gather @!p1 [hbm4b:s5+s6], $0x80, $0x38;
	[tilespmem:$0x17C40] =	vst v63  }
0xaa: {  	_ =	swait.ge @!p1 [sflag:s2], $0x80  }
0xab: {  	s8 =	simm.s32 @!p1 $0x100;
	s7 =	simm.s32 @!p1 $0x6;
	[sflag:s2] =	ssyncset.done @!p1 $0x0  }
0xac: {  	s5 =	simm.s32 @!p1 $0x200;
	[sflag:s2] =	ssyncadd.s32 @!p1 $0xFFFFFF80;
	s2 =	simm.s32 @!p1 $0x80  }
0xad: {  	[spmem:s3] =	stream.indirect.scatter.add.f32 @!p1 [tilespmem:s5], [sflag:$0x7], $0x40, s8, s2, $0xb8;
	[tilespmem:$0x17C40] =	vst v63  }
0xae: {  	_ =	swait.ge @!p1 [sflag:s7], $0x2000  }
0xaf: {  	[sflag:s7] =	ssyncset.done @!p1 $0x0  }
0xb0: {  	s0 =	sadd.s32 @!p1 $0x30, s0;
	[sflag:s7] =	ssyncadd.s32 @!p1 $0xFFFFE000  }
0xb1: {  	[tilespmem:s2], [sflag:$0x2] =	stream.linear.gather @!p1 [hbm4b:s0+s6], $0x80, $0x38;
	[tilespmem:$0x17C40] =	vst v63  }
0xb2: {  	_ =	swait.ge [sflag:s26], $0x80  }
0xb3: {  	[sflag:s26] =	ssyncset.done $0x0  }
0xb4: {  	[sflag:s26] =	ssyncadd.s32 $0xFFFFFF80  }
0xb5: {  	[spmem:s3] =	stream.indirect.scatter.add.f32 [tilespmem:s23], [sflag:$0x8], $0x40, s18, s17, $0xb8;
	[tilespmem:$0x17C40] =	vst v63  }
0xb6: {  	_ =	swait.ge [sflag:s28], $0x2000  }
0xb7: {  	[sflag:s28] =	ssyncset.done $0x0  }
0xb8: {  	[sflag:s28] =	ssyncadd.s32 $0xFFFFE000  }
0xb9: {  	_ =	swait.ge [sflag:s29], $0x2000  }
0xba: {  	[sflag:s29] =	ssyncset.done $0x0  }
0xbb: {  	[sflag:s29] =	ssyncadd.s32 $0xFFFFE000  }
0xbc: {  	s0 =	simm.s32 @p0 $0x9;
	[bflag:$0x0] =	sbarrier.arrive $0xFFFF  }
0xbd: {  	[hbm:s14], [sflag:s31] =	dma.local @p0 [spmem:s25], $0x1040  }
0xbe: {  	_ =	swait.ge @p0 [sflag:s0], $0x1040  }
0xbf: {  	s30 =	sadd.s32 $0x1, s30;
	[sflag:s0] =	ssyncset.done @p0 $0x0  }
0xc0: {  	p1 =	sne.s32 s30, s15;
	[sflag:s0] =	ssyncadd.s32 @p0 $0xFFFFEFC0;
	s0 =	sshrl.u32 @!p0 s11, $0x3  }
0xc1: {  	[hbm:s13], [sflag:s31] =	dma.local @!p0 [spmem:s0], $0x13C0  }
.Ltmp1:
0xc2: {  	_ = 	snop;
	(pc) =	sbr.rel @p1 .LBB2_1-.Ltmp1, $4  }
0xc3: {  	s0 =	simm.s32 @!p0 $0x9  }
0xc4: {  	_ =	swait.ge @!p0 [sflag:s0], $0x13C0  }
0xc5: {  	[sflag:s0] =	ssyncset.done @!p0 $0x0  }
0xc6: {  	[sflag:s0] =	ssyncadd.s32 @!p0 $0xFFFFEC40  }
0xc7: {  	_ =	sfence.sel $0x180000  }
0xc8: {  	[bflag:$0x0] =	sbarrier.arrive $0xFFFF  }
0xc9: {  	_ =	strace $0x90000047  }
0xca: {  	s0 =	stileid.u32;
	[bflag:$0x2] =	sbarrier.arrive $0xFFFF  }
0xcb: {  	p0 =	sne.s32 s0, $0x0;
	s0 =	rddreg [dreg:$0x3]  }
0xcc: {  	s0 =	sadd.s32 @!p0 $0x100000, s0  }
0xcd: {  	[sflag:s0] =	ssyncadd.tile.s32 @!p0 $0x1;
	_ =	shalt  }
.Lfunc_end2:
_tile_overlayer_lowered:
.L_overlay_start_2:
0xce: {  	(tag) =	ssettag $0x2  }
0xcf: {  	s0 =	rddreg [dreg:$0x0];
	s2 =	stileid.u32  }
0xd0: {  	s1 =	rddreg [dreg:$0x1];
	p0 =	sne.s32 s2, $0x0  }
0xd1: {  	s3 =	rddreg [dreg:$0x2];
	[bflag:$0x3] =	sbarrier.arrive $0xFFFF;
	s2 =	simm.s32 @!p0 $0x1C09  }
0xd2: {  	[timem:s3], [sflag:s2] =	dma.local @!p0 [hbm:s0], s1  }
0xd3: {  	s0 =	simm.s32 @!p0 $0x9  }
0xd4: {  	_ =	swait.ge @!p0 [sflag:s0], s1  }
0xd5: {  	s1 =	ssub.s32 @!p0 $0x0, s1;
	[sflag:s0] =	ssyncset.done @!p0 $0x0  }
0xd6: {  	[sflag:s0] =	ssyncadd.s32 @!p0 s1  }
0xd7: {  	[bflag:$0x3] =	sbarrier.arrive $0xFFFF  }
0xd8: {  	_ =	shalt  }

// kernel: kernel.9.cloned.1.call-start
scs
__scs_entry_jumppad:
0x0: {  	(pc) =	sbr.rel $0x88, $3  }
0x1: {  	(tag) =	ssettag $0x0;
	lr =	simm.s32 $0x1  }
0x2: {  	[smem:$0x3F98] =	sst lr;
	_ =	strace $0xD0000000  }
0x3: {  	_ = 	snop  }
0x4: {  	_ = 	snop  }
0x5: {  	_ = 	snop  }
0x6: {  	_ = 	snop  }
0x7: {  	_ = 	snop  }
__scs_overlays_trampoline_lowered:
0x8: {  	[smem:$0x3FA7] =	sst s0  }
0x9: {  	[smem:$0x3FA8] =	sst s1  }
0xa: {  	[smem:$0x3FA9] =	sst s2  }
0xb: {  	[smem:$0x3FAA] =	sst s3  }
0xc: {  	[smem:$0x3FAB] =	sst s4  }
0xd: {  	[smem:$0x3FAC] =	sst s5  }
0xe: {  	[smem:$0x3FAD] =	sst s6  }
0xf: {  	[smem:$0x3FAE] =	sst s7  }
0x10: {  	[smem:$0x3FAF] =	sst s8  }
0x11: {  	[smem:$0x3FB0] =	sst s9;
	s0 =	simm.s32 @!p0 $0x0  }
0x12: {  	s1 =	sld [smem:$0x3F96];
	s0 =	simm.s32 @p0 $0x1  }
0x13: {  	[smem:$0x3FB1] =	sst s0;
	s0 =	simm.s32 @!p1 $0x0  }
0x14: {  	s2 =	sld [smem:$0x3F95];
	s0 =	simm.s32 @p1 $0x1  }
0x15: {  	[smem:$0x3FB2] =	sst s0;
	s0 =	simm.s32 @!p2 $0x0  }
0x16: {  	s3 =	sld [smem:$0x3FDB];
	s0 =	simm.s32 @p2 $0x1  }
0x17: {  	s4 =	simm.s32 $0x1BF5;
	[smem:$0x3FB4] =	sst s0  }
0x18: {  	s0 =	sld [smem:$0x3F97];
	_ =	swait.ge [sflag:s4], $0x0  }
0x19: {  	s7 =	sld [smem:$0x3F98]  }
0x1a: {  	s8 =	sadd.s32 $0xFFFFE003, lr  }
0x1b: {  	s9 =	sadd.s32 $0xFFFFFEF7, lr;
	s5 =	simm.s32 $0xFFFFFFFF;
	p2 =	slt.u32 s8, $0xFFFFF086  }
0x1c: {  	p1 =	slt.u32 s9, $0xF7A;
	s5 =	simm.s32 @!p2 $0x0  }
0x1d: {  	s5 =	simm.s32 @p1 $0x1;
	p0 =	seq.s32 s7, s2  }
0x1e: {  	s7 =	smul.u32 @!p0 $0xF7A, s2;
	p2 =	seq.s32 @!p0 s5, $0x0  }
0x1f: {  	s9 =	smul.u32 $0xF7A, s1;
	s8 =	simm.s32 @!p0 $0x1BF5;
	p2 =	por !p2, p0  }
0x20: {  	[sflag:s8] =	ssyncset.s32 @!p0 $0xFFFFF086;
	s6 =	sadd.s32 @!p0 s3, s7;
	s7 =	simm.s32 @!p0 $0x108  }
0x21: {  	s3 =	sadd.s32 s3, s9;
	s6 =	sadd.s32 @!p0 $0x88, s6;
	s7 =	simm.s32 @p2 $0x1082  }
0x22: {  	[simem:s7], [sflag:s8] =	dma.local @!p0 [hbm:s6], $0xF7A  }
0x23: {  	s9 =	sor.u32 $0xD0000000, s2;
	s6 =	simm.s32 $0x108;
	_ =	swait.ge @!p0 [sflag:s8], $0x0  }
0x24: {  	s3 =	sadd.s32 $0x88, s3;
	s6 =	simm.s32 @!p1 $0x1082;
	[sflag:s4] =	ssyncset.s32 $0xFFFFF086  }
0x25: {  	[simem:s6], [sflag:s4] =	dma.local [hbm:s3], $0xF7A  }
0x26: {  	[smem:$0x3F98] =	sst s1;
	(tag) =	ssettag s2;
	_ =	strace s9  }
0x27: {  	s1 =	sld [smem:$0x3FA8]  }
0x28: {  	s2 =	sld [smem:$0x3FA9]  }
0x29: {  	s4 =	sld [smem:$0x3FAB]  }
0x2a: {  	p0 =	seq.s32 s5, $0x0;
	s5 =	sld [smem:$0x3FAC]  }
0x2b: {  	s6 =	sld [smem:$0x3FAD]  }
0x2c: {  	s7 =	sld [smem:$0x3FAE]  }
0x2d: {  	s3 =	simm.s32 $0x108;
	s8 =	sld [smem:$0x3FAF]  }
0x2e: {  	s3 =	simm.s32 @!p0 $0x1082;
	s9 =	sld [smem:$0x3FB0]  }
0x2f: {  	lr =	sadd.s32 s0, s3;
	s0 =	sld [smem:$0x3FA7]  }
0x30: {  	s3 =	sld [smem:$0x3FAA]  }
0x31: {  	[smem:$0x3FB3] =	sst s10  }
0x32: {  	s10 =	sld [smem:$0x3FB1];
	_ =	sdelay $0x3  }
0x33: {  	p0 =	seq.s32 s10, $0x1;
	s10 =	sld [smem:$0x3FB3];
	_ =	sdelay $0x3  }
0x34: {  	[smem:$0x3FB3] =	sst s10  }
0x35: {  	s10 =	sld [smem:$0x3FB2];
	_ =	sdelay $0x3  }
0x36: {  	p1 =	seq.s32 s10, $0x1;
	s10 =	sld [smem:$0x3FB3];
	_ =	sdelay $0x3  }
0x37: {  	[smem:$0x3FB3] =	sst s10  }
0x38: {  	s10 =	sld [smem:$0x3FB4]  }
0x39: {  	_ = 	snop;
	(pc) =	sbr.ind lr, $3  }
0x3a: {  	_ = 	snop  }
0x3b: {  	_ = 	snop  }
0x3c: {  	p2 =	seq.s32 s10, $0x1;
	s10 =	sld [smem:$0x3FB3]  }
0x3d: {  	_ =	shalt  }
0x3e: {  	_ =	shalt  }
0x3f: {  	_ =	shalt  }
0x40: {  	_ =	shalt  }
0x41: {  	_ =	shalt  }
0x42: {  	_ =	shalt  }
0x43: {  	_ =	shalt  }
0x44: {  	_ =	shalt  }
0x45: {  	_ =	shalt  }
0x46: {  	_ =	shalt  }
0x47: {  	_ =	shalt  }
0x48: {  	_ =	shalt  }
0x49: {  	_ =	shalt  }
0x4a: {  	_ =	shalt  }
0x4b: {  	_ =	shalt  }
0x4c: {  	_ =	shalt  }
0x4d: {  	_ =	shalt  }
0x4e: {  	_ =	shalt  }
0x4f: {  	_ =	shalt  }
0x50: {  	_ =	shalt  }
0x51: {  	_ =	shalt  }
0x52: {  	_ =	shalt  }
0x53: {  	_ =	shalt  }
0x54: {  	_ =	shalt  }
0x55: {  	_ =	shalt  }
0x56: {  	_ =	shalt  }
0x57: {  	_ =	shalt  }
0x58: {  	_ =	shalt  }
0x59: {  	_ =	shalt  }
0x5a: {  	_ =	shalt  }
0x5b: {  	_ =	shalt  }
0x5c: {  	_ =	shalt  }
0x5d: {  	_ =	shalt  }
0x5e: {  	_ =	shalt  }
0x5f: {  	_ =	shalt  }
0x60: {  	_ =	shalt  }
0x61: {  	_ =	shalt  }
0x62: {  	_ =	shalt  }
0x63: {  	_ =	shalt  }
0x64: {  	_ =	shalt  }
0x65: {  	_ =	shalt  }
0x66: {  	_ =	shalt  }
0x67: {  	_ =	shalt  }
0x68: {  	_ =	shalt  }
0x69: {  	_ =	shalt  }
0x6a: {  	_ =	shalt  }
0x6b: {  	_ =	shalt  }
0x6c: {  	_ =	shalt  }
0x6d: {  	_ =	shalt  }
0x6e: {  	_ =	shalt  }
0x6f: {  	_ =	shalt  }
0x70: {  	_ =	shalt  }
0x71: {  	_ =	shalt  }
0x72: {  	_ =	shalt  }
0x73: {  	_ =	shalt  }
0x74: {  	_ =	shalt  }
0x75: {  	_ =	shalt  }
0x76: {  	_ =	shalt  }
0x77: {  	_ =	shalt  }
0x78: {  	_ =	shalt  }
0x79: {  	_ =	shalt  }
0x7a: {  	_ =	shalt  }
0x7b: {  	_ =	shalt  }
0x7c: {  	_ =	shalt  }
0x7d: {  	_ =	shalt  }
0x7e: {  	_ =	shalt  }
0x7f: {  	_ =	shalt  }
0x80: {  	_ =	shalt  }
0x81: {  	_ =	shalt  }
0x82: {  	_ =	shalt  }
0x83: {  	_ =	shalt  }
0x84: {  	_ =	shalt  }
0x85: {  	_ =	shalt  }
0x86: {  	_ =	shalt  }
0x87: {  	_ =	shalt  }
.Lfunc_end0:
.L_simem_size_0:
called_computation.1_lowered:
.L_overlay_start_0:
0x88: {  	s2 =	sld [smem:$0x3FD9]  }
0x89: {  	s3 =	sld [smem:$0x3FFE];
	_ =	sdelay $0x1  }
0x8a: {  	s1 =	srdreg.scid  }
0x8b: {  	s0 =	sand.u32 $0x1, s1  }
0x8c: {  	s16 =	sshll.u32 s0, $0xA;
	s2 =	sadd.s32 s3, s2  }
0x8d: {  	s2 =	sadd.s32 s2, s16  }
0x8e: {  	[smem:$0x3FBF] =	sst s2  }
0x8f: {  	_ = 	snop  }
0x90: {  	(tm) =	ssettm $0x1  }
0x91: {  	s17 =	sld [smem:$0x3FFB];
	_ =	sdelay $0x3  }
0x92: {  	_ =	strace s17  }
0x93: {  	s2 =	sld [smem:$0x3FFC];
	_ =	sdelay $0x3  }
0x94: {  	_ =	strace s2  }
0x95: {  	s2 =	sld [smem:$0x3FFD];
	_ =	sdelay $0x3  }
0x96: {  	_ =	strace s2  }
0x97: {  	_ =	strace $0x8FFFFFFF  }
0x98: {  	s18 =	sld [smem:$0x3FDB];
	_ =	sdelay $0x1  }
0x99: {  	s19 =	simm.s32 $_scs_section_size  }
0x9a: {  	s4 =	simm.s32 $_size__tile_overlayer_lowered;
	s5 =	simm.s32 $_tile_overlayer_lowered  }
0x9b: {  	s22 =	simm.s32 $0x1BFF;
	s21 =	sshll.u32 s5, $0x1;
	s2 =	sadd.s32 s19, s18  }
0x9c: {  	s6 =	simm.s32 $0x0;
	s20 =	sshll.u32 s4, $0x1;
	s4 =	sadd.s32 s21, s2  }
0x9d: {  	[timem:s6], [sflag:s22] =	dma.local [hbm:s4], s20  }
0x9e: {  	_ =	swait.ge [sflag:s22], s20  }
0x9f: {  	s3 =	ssub.s32 $0x0, s20;
	[sflag:s22] =	ssyncset.done $0x0  }
0xa0: {  	[sflag:s22] =	ssyncadd.s32 s3;
	_ =	sdelay $0x1  }
0xa1: {  	s23 =	simm.s32 $0x1B8B  }
0xa2: {  	_ =	swait.ge [sflag:s23], $0x1  }
0xa3: {  	[sflag:s23] =	ssyncset.done $0x0  }
0xa4: {  	s25 =	simm.s32 $0x1B8E;
	s24 =	sld [smem:$0x3FFE];
	[sflag:s23] =	ssyncadd.s32 $0xFFFFFFFF  }
0xa5: {  	s26 =	simm.s32 $execute0_lowered;
	[smem:$0x3FD2] =	sst s25  }
0xa6: {  	s4 =	sshll.u32 s26, $0x1;
	_ =	strace $0x80000049;
	[dreg:$0x1] =	wrdreg $0xFFFFFFFF  }
0xa7: {  	s28 =	simm.s32 $_size_execute0_lowered;
	s2 =	sadd.s32 s2, s4;
	[dreg:$0x0] =	wrdreg $0x0  }
0xa8: {  	s4 =	sshll.u32 s28, $0x1;
	[dreg:$0x2] =	wrdreg s2  }
0xa9: {  	[dreg:$0x3] =	wrdreg s4  }
0xaa: {  	[dreg:$0x4] =	wrdreg $0xC0  }
0xab: {  	_ =	task [dreg:s6], $0x5FFFF  }
0xac: {  	[dreg:$0x1] =	wrdreg $0xFFFFFFFF  }
0xad: {  	[dreg:$0x0] =	wrdreg $0x60  }
0xae: {  	[dreg:$0x2] =	wrdreg s24  }
0xaf: {  	[dreg:$0x3] =	wrdreg $0x42000  }
0xb0: {  	[dreg:$0x4] =	wrdreg $0xDE400  }
0xb1: {  	[dreg:$0x5] =	wrdreg $0x9  }
0xb2: {  	_ =	task.clear_ibuf [dreg:s6], $0x6FFFF;
	_ =	strace $0x90000049  }
0xb3: {  	s29 =	simm.s32 $0x9;
	_ =	strace $0x8000004B  }
0xb4: {  	_ =	swait.ge [sflag:s29], $0x1  }
0xb5: {  	[sflag:s29] =	ssyncadd.s32 $0xFFFFFFFF  }
0xb6: {  	_ =	strace $0x9000004B  }
0xb7: {  	_ =	sfence  }
0xb8: {  	s30 =	sld [smem:$0x0];
	_ =	sdelay $0x2  }
0xb9: {  	s31 =	sshll.u32 s1, $0xD;
	s1 =	sshrl.u32 s1, $0x2  }
0xba: {  	s3 =	sand.u32 $0x4000, s31;
	s1 =	sadd.s32 s1, s30  }
0xbb: {  	s0 =	sor.u32 s3, s0;
	s1 =	sshll.u32 s1, $0x11  }
0xbc: {  	s0 =	sor.u32 s1, s0  }
0xbd: {  	s0 =	sadd.s32 $0x8F2B, s0  }
0xbe: {  	[sflag:s0] =	ssyncadd.remote.s32 $0x1  }
0xbf: {  	_ =	sfence.sel $0xFFFF  }
0xc0: {  	[dreg:$0x0] =	wrdreg $0xFFFFFFFF;
	(pc) =	sbr.abs _section_cstart, $3  }
0xc1: {  	[dreg:$0x1] =	wrdreg $0xFFFFFFFF  }
0xc2: {  	_ =	task.clear_ibuf [dreg:s6], $0x2FFFF;
	_ =	strace $0x9FFFFFFF  }
0xc3: {  	(tm) =	ssettm $0x7FFFFFFF  }
tec
execute0_lowered:
.L_overlay_start_1:
0x0: {  	(tag) =	ssettag $0x1  }
0x1: {  	s0 =	rddreg [dreg:$0x0]  }
0x2: {  	s1 =	rddreg [dreg:$0x1]  }
0x3: {  	s3 =	rddreg [dreg:$0x2];
	s4 =	simm.s32 $0x0  }
0x4: {  	s2 =	stileid.u32;
	s6 =	srdreg.scid;
	s28 =	simm.s32 $0x7  }
0x5: {  	s29 =	simm.s32 $0x8;
	s30 =	simm.s32 $0x0;
	s11 =	smul.u32 $0x9E00, s2  }
0x6: {  	[smem:$0x7FF] =	sst s4;
	s5 =	sadd.s32 $0x1A00, s0;
	s24 =	smul.u32 $0x4F00, s2  }
0x7: {  	s14 =	sadd.s32 $0x32A00, s0;
	s15 =	sadd.s32 $0x28C00, s0;
	s13 =	smul.u32 $0x27800, s2  }
0x8: {  	s8 =	sand.u32 $0x1, s6;
	s17 =	smul.u32 $0x13C0, s2;
	p0 =	seq.s32 s2, $0xF  }
0x9: {  	_ =	strace $0x8000004A;
	s25 =	ssub.s32 $0x2, s8;
	s26 =	smul.u32 $0x13880, s8  }
0xa: {  	s18 =	smul.u32 $0x9C400, s8;
	s7 =	sshrl.u32 s11, $0x3;
	s9 =	sshrl.u32 s25, $0x1  }
0xb: {  	s10 =	sshrl.u32 s24, $0x3;
	s13 =	sshrl.u32 s13, $0x2;
	s24 =	smul.u32 $0x9E0, s2  }
0xc: {  	s12 =	sadd.s32 s7, s0;
	s0 =	sadd.s32 $0x50400, s0;
	s16 =	ssub.s32 s25, s9  }
0xd: {  	s6 =	sadd.s32 s14, s10;
	s31 =	sadd.s32 s15, s10;
	s10 =	sor.u32 $0x10, s10  }
0xe: {  	s20 =	sadd.s32 s13, s1;
	s9 =	sadd.s32 s17, s26;
	s21 =	sshrl.u32 s18, $0x3  }
0xf: {  	s23 =	sadd.s32 s11, s18;
	s11 =	sadd.s32 s11, s3;
	[dreg:$0x6] =	wrdreg s6  }
0x10: {  	s17 =	simm.s32 $0x80;
	s18 =	simm.s32 $0x180;
	[dreg:$0x7] =	wrdreg s31  }
0x11: {  	s7 =	sadd.s32 s14, s10;
	s10 =	sadd.s32 s15, s10;
	s19 =	sadd.s32 s5, s9  }
0x12: {  	s22 =	sadd.s32 $0x12840, s21;
	s25 =	sshrl.u32 s23, $0x3;
	s12 =	sadd.s32 $0x3C800, s12  }
0x13: {  	s26 =	sadd.s32 s24, s14;
	s31 =	sadd.s32 s24, s15;
	s15 =	smax.u32 s16, $0x1  }
0x14: {  	s20 =	sshrl.u32 @!p0 s20, $0x3;
	s21 =	simm.s32 $0x9;
	[dreg:$0x8] =	wrdreg s7  }
0x15: {  	s23 =	simm.s32 $0x2200;
	s24 =	simm.s32 $0x5;
	[dreg:$0x9] =	wrdreg s10  }
0x16: {  	[dreg:$0xa] =	wrdreg s19;
	s19 =	sadd.s32 $0x94200, s1;
	s10 =	sadd.s32 s5, s22  }
0x17: {  	s13 =	sadd.s32 s0, s25;
	s14 =	sadd.s32 s0, s22;
	[dreg:$0x5] =	wrdreg s26  }
0x18: {  	s5 =	sadd.s32 $0x94200, s3;
	[dreg:$0x4] =	wrdreg s31;
	s22 =	simm.s32 $0x2  }
0x19: {  	s26 =	simm.s32 $0x4;
	s19 =	sshrl.u32 @p0 s19, $0x3;
	s25 =	sshrl.u32 @p0 s5, $0x3  }
.LBB2_1:
0x1a: {  	s0 =	rddreg [dreg:$0x6]  }
0x1b: {  	[tilespmem:s4], [sflag:$0x1] =	stream.linear.gather [hbm4b:s0+s4], $0x80, $0x38;
	[tilespmem:$0x17C40] =	vst v63  }
0x1c: {  	s6 =	rddreg [dreg:$0x7];
	s2 =	simm.s32 $0x100  }
0x1d: {  	[tilespmem:s2], [sflag:$0x3] =	stream.linear.gather [hbm4b:s6+s4], $0x80, $0x38;
	[tilespmem:$0x17C40] =	vst v63  }
0x1e: {  	s7 =	rddreg [dreg:$0x8]  }
0x1f: {  	[tilespmem:s17], [sflag:$0x2] =	stream.linear.gather [hbm4b:s7+s4], $0x80, $0x38;
	[tilespmem:$0x17C40] =	vst v63  }
0x20: {  	s8 =	rddreg [dreg:$0x9];
	s0 =	simm.s32 @p0 $0x1FC9  }
0x21: {  	[tilespmem:s18], [sflag:$0x4] =	stream.linear.gather [hbm4b:s8+s4], $0x80, $0x38;
	[tilespmem:$0x17C40] =	vst v63  }
0x22: {  	[spmem:s19], [sflag:s0] =	dma.local @p0 [hbm:s10], $0x1040  }
0x23: {  	s0 =	simm.s32 @p0 $0x9  }
0x24: {  	s2 =	stileid.u32;
	_ =	swait.ge @p0 [sflag:s0], $0x1040  }
0x25: {  	s5 =	sshll.u32 @!p0 s2, $0x6;
	[sflag:s0] =	ssyncset.done @p0 $0x0  }
0x26: {  	[sflag:s0] =	ssyncadd.s32 @p0 $0xFFFFEFC0;
	s0 =	sor.u32 @!p0 $0x1C09, s5;
	s5 =	rddreg [dreg:$0xa]  }
0x27: {  	[spmem:s20], [sflag:s0] =	dma.local @!p0 [hbm:s5], $0x13C0  }
0x28: {  	s0 =	simm.s32 @!p0 $0x9  }
0x29: {  	_ =	swait.ge @!p0 [sflag:s0], $0x13C0  }
0x2a: {  	s9 =	sshll.u32 s2, $0x6;
	[sflag:s0] =	ssyncset.done @!p0 $0x0  }
0x2b: {  	s16 =	sshrl.u32 s11, $0x3;
	s31 =	sor.u32 $0x1C09, s9;
	[sflag:s0] =	ssyncadd.s32 @!p0 $0xFFFFEC40  }
0x2c: {  	[spmem:s16], [sflag:s31] =	dma.local [hbm:s12], $0x13C0  }
0x2d: {  	_ =	swait.ge [sflag:s21], $0x13C0  }
0x2e: {  	[sflag:s21] =	ssyncset.done $0x0  }
0x2f: {  	p1 =	por $0x1, $0x1;
	[sflag:s21] =	ssyncadd.s32 $0xFFFFEC40  }
0x30: {  	s0 =	simm.s32 @p1 $0x1;
	[bflag:$0x0] =	sbarrier.arrive $0xFFFF  }
0x31: {  	_ =	swait.ge @p1 [sflag:s0], $0x80  }
0x32: {  	s6 =	simm.s32 @p1 $0x0;
	s5 =	simm.s32 @p1 $0x200;
	[sflag:s0] =	ssyncset.done @p1 $0x0  }
0x33: {  	s16 =	simm.s32 @!p1 $0x7;
	[sflag:s0] =	ssyncadd.s32 @p1 $0xFFFFFF80;
	s0 =	simm.s32 @p1 $0x80  }
0x34: {  	[tilespmem:s5], [sflag:$0x5] =	stream.indirect.gather @p1 [spmem:s1], $0x40, s6, s0, $0xb8;
	[tilespmem:$0x17C40] =	vst v63  }
0x35: {  	s5 =	simm.s32 @!p1 $0x1;
	_ =	swait.ge @!p1 [sflag:s16], $0x2000  }
0x36: {  	s6 =	simm.s32 @!p1 $0x0;
	s0 =	rddreg [dreg:$0x4];
	[sflag:s16] =	ssyncset.done @!p1 $0x0  }
0x37: {  	[sflag:s16] =	ssyncadd.s32 @!p1 $0xFFFFE000;
	s0 =	sadd.s32 @!p1 $0x0, s0;
	s16 =	simm.s32 @!p1 $0x100  }
0x38: {  	[tilespmem:s16], [sflag:$0x3] =	stream.linear.gather @!p1 [hbm4b:s0+s6], $0x80, $0x38;
	[tilespmem:$0x17C40] =	vst v63  }
0x39: {  	_ =	swait.ge @!p1 [sflag:s5], $0x80  }
0x3a: {  	s7 =	simm.s32 @!p1 $0x200;
	[sflag:s5] =	ssyncset.done @!p1 $0x0  }
0x3b: {  	s16 =	simm.s32 @!p1 $0x8;
	[sflag:s5] =	ssyncadd.s32 @!p1 $0xFFFFFF80;
	s5 =	simm.s32 @!p1 $0x80  }
0x3c: {  	[tilespmem:s7], [sflag:$0x5] =	stream.indirect.gather @!p1 [spmem:s1], $0x40, s6, s5, $0xb8;
	[tilespmem:$0x17C40] =	vst v63  }
0x3d: {  	_ =	swait.ge @!p1 [sflag:s16], $0x2000  }
0x3e: {  	[sflag:s16] =	ssyncset.done @!p1 $0x0  }
0x3f: {  	s0 =	sadd.s32 @!p1 $0x10, s0;
	s5 =	simm.s32 @!p1 $0x180;
	[sflag:s16] =	ssyncadd.s32 @!p1 $0xFFFFE000  }
0x40: {  	[tilespmem:s5], [sflag:$0x4] =	stream.linear.gather @!p1 [hbm4b:s0+s6], $0x80, $0x38;
	[tilespmem:$0x17C40] =	vst v63  }
0x41: {  	_ =	swait.ge [sflag:s22], $0x80  }
0x42: {  	[sflag:s22] =	ssyncset.done $0x0  }
0x43: {  	[sflag:s22] =	ssyncadd.s32 $0xFFFFFF80  }
0x44: {  	[tilespmem:s23], [sflag:$0x6] =	stream.indirect.gather [spmem:s1], $0x40, s17, s17, $0xb8;
	[tilespmem:$0x17C40] =	vst v63  }
0x45: {  	_ =	swait.ge [sflag:s24], $0x2000  }
0x46: {  	p1 =	por $0x0, $0x0;
	[sflag:s24] =	ssyncset.done $0x0  }
0x47: {  	s0 =	simm.s32 @p1 $0x3;
	[sflag:s24] =	ssyncadd.s32 $0xFFFFE000  }
0x48: {  	_ =	swait.ge @p1 [sflag:s0], $0x80  }
0x49: {  	s5 =	simm.s32 @p1 $0x200;
	s6 =	simm.s32 @p1 $0x6;
	[sflag:s0] =	ssyncset.done @p1 $0x0  }
0x4a: {  	s7 =	simm.s32 @p1 $0x100;
	[sflag:s0] =	ssyncadd.s32 @p1 $0xFFFFFF80;
	s0 =	simm.s32 @p1 $0x80  }
0x4b: {  	[spmem:s3] =	stream.indirect.scatter.add.f32 @p1 [tilespmem:s5], [sflag:$0x7], $0x40, s7, s0, $0xb8;
	[tilespmem:$0x17C40] =	vst v63  }
0x4c: {  	_ =	swait.ge @p1 [sflag:s6], $0x2000  }
0x4d: {  	s0 =	rddreg [dreg:$0x5]  }
0x4e: {  	s5 =	simm.s32 @!p1 $0x3;
	[sflag:s6] =	ssyncset.done @p1 $0x0;
	s0 =	sadd.s32 @!p1 $0x0, s0  }
0x4f: {  	s7 =	simm.s32 @!p1 $0x0;
	[sflag:s6] =	ssyncadd.s32 @p1 $0xFFFFE000;
	s6 =	sadd.s32 @!p1 $0x20, s0  }
0x50: {  	[tilespmem:s7], [sflag:$0x1] =	stream.linear.gather @!p1 [hbm4b:s6+s7], $0x80, $0x38;
	[tilespmem:$0x17C40] =	vst v63  }
0x51: {  	_ =	swait.ge @!p1 [sflag:s5], $0x80  }
0x52: {  	s16 =	simm.s32 @!p1 $0x100;
	[sflag:s5] =	ssyncset.done @!p1 $0x0  }
0x53: {  	s6 =	simm.s32 @!p1 $0x200;
	[sflag:s5] =	ssyncadd.s32 @!p1 $0xFFFFFF80;
	s5 =	simm.s32 @!p1 $0x80  }
0x54: {  	[spmem:s3] =	stream.indirect.scatter.add.f32 @!p1 [tilespmem:s6], [sflag:$0x7], $0x40, s16, s5, $0xb8;
	[tilespmem:$0x17C40] =	vst v63  }
0x55: {  	s6 =	simm.s32 @!p1 $0x6  }
0x56: {  	_ =	swait.ge @!p1 [sflag:s6], $0x2000  }
0x57: {  	[sflag:s6] =	ssyncset.done @!p1 $0x0  }
0x58: {  	s0 =	sadd.s32 @!p1 $0x30, s0;
	[sflag:s6] =	ssyncadd.s32 @!p1 $0xFFFFE000  }
0x59: {  	[tilespmem:s5], [sflag:$0x2] =	stream.linear.gather @!p1 [hbm4b:s0+s7], $0x80, $0x38;
	[tilespmem:$0x17C40] =	vst v63  }
0x5a: {  	p2 =	por $0x0, $0x0;
	_ =	swait.ge [sflag:s26], $0x80  }
0x5b: {  	s16 =	simm.s32 $0x40;
	s0 =	simm.s32 $0x20;
	[sflag:s26] =	ssyncset.done $0x0  }
.LBB2_2:
0x5c: {  	s6 =	simm.s32 @p2 $0x1;
	[sflag:s26] =	ssyncadd.s32 $0xFFFFFF80  }
0x5d: {  	[spmem:s3] =	stream.indirect.scatter.add.f32 [tilespmem:s23], [sflag:$0x8], $0x40, s18, s17, $0xb8;
	[tilespmem:$0x17C40] =	vst v63  }
0x5e: {  	_ =	swait.ge @p2 [sflag:s6], $0x80  }
0x5f: {  	s7 =	simm.s32 @p2 $0x200;
	s8 =	simm.s32 @!p2 $0x7;
	[sflag:s6] =	ssyncset.done @p2 $0x0  }
0x60: {  	s9 =	simm.s32 @p2 $0x0;
	[sflag:s6] =	ssyncadd.s32 @p2 $0xFFFFFF80;
	s6 =	simm.s32 @p2 $0x80  }
0x61: {  	[tilespmem:s7], [sflag:$0x5] =	stream.indirect.gather @p2 [spmem:s1], $0x40, s9, s6, $0xb8;
	[tilespmem:$0x17C40] =	vst v63  }
0x62: {  	s7 =	simm.s32 @!p2 $0x1;
	_ =	swait.ge @!p2 [sflag:s8], $0x2000  }
0x63: {  	s9 =	simm.s32 @!p2 $0x100;
	[sflag:s8] =	ssyncset.done @!p2 $0x0;
	s6 =	rddreg [dreg:$0x4]  }
0x64: {  	[sflag:s8] =	ssyncadd.s32 @!p2 $0xFFFFE000;
	s6 =	sadd.s32 @!p2 s0, s6;
	s8 =	simm.s32 @!p2 $0x0  }
0x65: {  	[tilespmem:s9], [sflag:$0x3] =	stream.linear.gather @!p2 [hbm4b:s6+s8], $0x80, $0x38;
	[tilespmem:$0x17C40] =	vst v63  }
0x66: {  	_ =	swait.ge @!p2 [sflag:s7], $0x80  }
0x67: {  	s2 =	simm.s32 @!p2 $0x200;
	[sflag:s7] =	ssyncset.done @!p2 $0x0  }
0x68: {  	s9 =	simm.s32 @!p2 $0x8;
	[sflag:s7] =	ssyncadd.s32 @!p2 $0xFFFFFF80;
	s7 =	simm.s32 @!p2 $0x80  }
0x69: {  	[tilespmem:s2], [sflag:$0x5] =	stream.indirect.gather @!p2 [spmem:s1], $0x40, s8, s7, $0xb8;
	[tilespmem:$0x17C40] =	vst v63  }
0x6a: {  	_ =	swait.ge @!p2 [sflag:s9], $0x2000  }
0x6b: {  	[sflag:s9] =	ssyncset.done @!p2 $0x0  }
0x6c: {  	s6 =	sadd.s32 @!p2 $0x10, s6;
	s2 =	simm.s32 @!p2 $0x180;
	[sflag:s9] =	ssyncadd.s32 @!p2 $0xFFFFE000  }
0x6d: {  	[tilespmem:s2], [sflag:$0x4] =	stream.linear.gather @!p2 [hbm4b:s6+s8], $0x80, $0x38;
	[tilespmem:$0x17C40] =	vst v63  }
0x6e: {  	_ =	swait.ge [sflag:s22], $0x80  }
0x6f: {  	[sflag:s22] =	ssyncset.done $0x0  }
0x70: {  	[sflag:s22] =	ssyncadd.s32 $0xFFFFFF80  }
0x71: {  	[tilespmem:s23], [sflag:$0x6] =	stream.indirect.gather [spmem:s1], $0x40, s17, s17, $0xb8;
	[tilespmem:$0x17C40] =	vst v63  }
0x72: {  	_ =	swait.ge [sflag:s24], $0x2000  }
0x73: {  	p2 =	seq.s32 s0, $0x9C0;
	[sflag:s24] =	ssyncset.done $0x0  }
0x74: {  	s2 =	simm.s32 @p2 $0x3;
	[sflag:s24] =	ssyncadd.s32 $0xFFFFE000  }
0x75: {  	_ =	swait.ge @p2 [sflag:s2], $0x80  }
0x76: {  	s6 =	simm.s32 @p2 $0x200;
	s7 =	simm.s32 @p2 $0x6;
	[sflag:s2] =	ssyncset.done @p2 $0x0  }
0x77: {  	s8 =	simm.s32 @p2 $0x100;
	[sflag:s2] =	ssyncadd.s32 @p2 $0xFFFFFF80;
	s2 =	simm.s32 @p2 $0x80  }
0x78: {  	[spmem:s3] =	stream.indirect.scatter.add.f32 @p2 [tilespmem:s6], [sflag:$0x7], $0x40, s8, s2, $0xb8;
	[tilespmem:$0x17C40] =	vst v63  }
0x79: {  	_ =	swait.ge @p2 [sflag:s7], $0x2000  }
0x7a: {  	s5 =	smov.u32 s16;
	s2 =	rddreg [dreg:$0x5]  }
0x7b: {  	s6 =	simm.s32 @!p2 $0x3;
	[sflag:s7] =	ssyncset.done @p2 $0x0;
	s2 =	sadd.s32 @!p2 s0, s2  }
0x7c: {  	[sflag:s7] =	ssyncadd.s32 @p2 $0xFFFFE000;
	s7 =	simm.s32 @!p2 $0x0;
	s0 =	sadd.s32 @!p2 $0x20, s2  }
0x7d: {  	[tilespmem:s7], [sflag:$0x1] =	stream.linear.gather @!p2 [hbm4b:s0+s7], $0x80, $0x38;
	[tilespmem:$0x17C40] =	vst v63  }
0x7e: {  	s16 =	sadd.s32 $0x20, s16;
	s9 =	simm.s32 @!p2 $0x100;
	_ =	swait.ge @!p2 [sflag:s6], $0x80  }
0x7f: {  	s8 =	simm.s32 @!p2 $0x6;
	s0 =	smov.u32 s5;
	[sflag:s6] =	ssyncset.done @!p2 $0x0  }
0x80: {  	s5 =	simm.s32 @!p2 $0x200;
	[sflag:s6] =	ssyncadd.s32 @!p2 $0xFFFFFF80;
	s6 =	simm.s32 @!p2 $0x80  }
0x81: {  	[spmem:s3] =	stream.indirect.scatter.add.f32 @!p2 [tilespmem:s5], [sflag:$0x7], $0x40, s9, s6, $0xb8;
	[tilespmem:$0x17C40] =	vst v63  }
0x82: {  	p1 =	sne.s32 s16, $0x9E0;
	_ =	swait.ge @!p2 [sflag:s8], $0x2000  }
.Ltmp0:
0x83: {  	[sflag:s8] =	ssyncset.done @!p2 $0x0;
	(pc) =	sbr.rel @p1 .LBB2_2-.Ltmp0, $4  }
0x84: {  	s2 =	sadd.s32 @!p2 $0x30, s2;
	[sflag:s8] =	ssyncadd.s32 @!p2 $0xFFFFE000  }
0x85: {  	[tilespmem:s6], [sflag:$0x2] =	stream.linear.gather @!p2 [hbm4b:s2+s7], $0x80, $0x38;
	[tilespmem:$0x17C40] =	vst v63  }
0x86: {  	_ =	swait.ge [sflag:s26], $0x80  }
0x87: {  	p2 =	seq.s32 s0, $0x0;
	[sflag:s26] =	ssyncset.done $0x0  }
0x88: {  	s2 =	simm.s32 @p2 $0x1;
	[sflag:s26] =	ssyncadd.s32 $0xFFFFFF80  }
0x89: {  	[spmem:s3] =	stream.indirect.scatter.add.f32 [tilespmem:s23], [sflag:$0x8], $0x40, s18, s17, $0xb8;
	[tilespmem:$0x17C40] =	vst v63  }
0x8a: {  	_ =	swait.ge @p2 [sflag:s2], $0x80  }
0x8b: {  	s5 =	simm.s32 @p2 $0x200;
	s6 =	simm.s32 @!p2 $0x7;
	[sflag:s2] =	ssyncset.done @p2 $0x0  }
0x8c: {  	s7 =	simm.s32 @p2 $0x0;
	[sflag:s2] =	ssyncadd.s32 @p2 $0xFFFFFF80;
	s2 =	simm.s32 @p2 $0x80  }
0x8d: {  	[tilespmem:s5], [sflag:$0x5] =	stream.indirect.gather @p2 [spmem:s1], $0x40, s7, s2, $0xb8;
	[tilespmem:$0x17C40] =	vst v63  }
0x8e: {  	s5 =	simm.s32 @!p2 $0x1;
	_ =	swait.ge @!p2 [sflag:s6], $0x2000  }
0x8f: {  	s7 =	simm.s32 @!p2 $0x100;
	s2 =	rddreg [dreg:$0x4];
	[sflag:s6] =	ssyncset.done @!p2 $0x0  }
0x90: {  	[sflag:s6] =	ssyncadd.s32 @!p2 $0xFFFFE000;
	s2 =	sadd.s32 @!p2 s0, s2;
	s6 =	simm.s32 @!p2 $0x0  }
0x91: {  	[tilespmem:s7], [sflag:$0x3] =	stream.linear.gather @!p2 [hbm4b:s2+s6], $0x80, $0x38;
	[tilespmem:$0x17C40] =	vst v63  }
0x92: {  	_ =	swait.ge @!p2 [sflag:s5], $0x80  }
0x93: {  	s8 =	simm.s32 @!p2 $0x200;
	[sflag:s5] =	ssyncset.done @!p2 $0x0  }
0x94: {  	s7 =	simm.s32 @!p2 $0x8;
	[sflag:s5] =	ssyncadd.s32 @!p2 $0xFFFFFF80;
	s5 =	simm.s32 @!p2 $0x80  }
0x95: {  	[tilespmem:s8], [sflag:$0x5] =	stream.indirect.gather @!p2 [spmem:s1], $0x40, s6, s5, $0xb8;
	[tilespmem:$0x17C40] =	vst v63  }
0x96: {  	_ =	swait.ge @!p2 [sflag:s7], $0x2000  }
0x97: {  	[sflag:s7] =	ssyncset.done @!p2 $0x0  }
0x98: {  	s2 =	sadd.s32 @!p2 $0x10, s2;
	s5 =	simm.s32 @!p2 $0x180;
	[sflag:s7] =	ssyncadd.s32 @!p2 $0xFFFFE000  }
0x99: {  	[tilespmem:s5], [sflag:$0x4] =	stream.linear.gather @!p2 [hbm4b:s2+s6], $0x80, $0x38;
	[tilespmem:$0x17C40] =	vst v63  }
0x9a: {  	_ =	swait.ge [sflag:s22], $0x80  }
0x9b: {  	[sflag:s22] =	ssyncset.done $0x0  }
0x9c: {  	[sflag:s22] =	ssyncadd.s32 $0xFFFFFF80  }
0x9d: {  	[tilespmem:s23], [sflag:$0x6] =	stream.indirect.gather [spmem:s1], $0x40, s17, s17, $0xb8;
	[tilespmem:$0x17C40] =	vst v63  }
0x9e: {  	_ =	swait.ge [sflag:s24], $0x2000  }
0x9f: {  	p1 =	seq.s32 s0, $0x9C0;
	[sflag:s24] =	ssyncset.done $0x0  }
0xa0: {  	s2 =	simm.s32 @p1 $0x3;
	[sflag:s24] =	ssyncadd.s32 $0xFFFFE000  }
0xa1: {  	_ =	swait.ge @p1 [sflag:s2], $0x80  }
0xa2: {  	s7 =	simm.s32 @p1 $0x100;
	s5 =	simm.s32 @p1 $0x200;
	[sflag:s2] =	ssyncset.done @p1 $0x0  }
0xa3: {  	s6 =	simm.s32 @p1 $0x6;
	[sflag:s2] =	ssyncadd.s32 @p1 $0xFFFFFF80;
	s2 =	simm.s32 @p1 $0x80  }
0xa4: {  	[spmem:s3] =	stream.indirect.scatter.add.f32 @p1 [tilespmem:s5], [sflag:$0x7], $0x40, s7, s2, $0xb8;
	[tilespmem:$0x17C40] =	vst v63  }
0xa5: {  	_ =	swait.ge @p1 [sflag:s6], $0x2000  }
0xa6: {  	s2 =	rddreg [dreg:$0x5]  }
0xa7: {  	[sflag:s6] =	ssyncset.done @p1 $0x0;
	s0 =	sadd.s32 @!p1 s0, s2;
	s2 =	simm.s32 @!p1 $0x3  }
0xa8: {  	[sflag:s6] =	ssyncadd.s32 @p1 $0xFFFFE000;
	s6 =	simm.s32 @!p1 $0x0;
	s5 =	sadd.s32 @!p1 $0x20, s0  }
0xa9: {  	[tilespmem:s6], [sflag:$0x1] =	stream.linear.gather @!p1 [hbm4b:s5+s6], $0x80, $0x38;
	[tilespmem:$0x17C40] =	vst v63  }
0xaa: {  	_ =	swait.ge @!p1 [sflag:s2], $0x80  }
0xab: {  	s8 =	simm.s32 @!p1 $0x100;
	s7 =	simm.s32 @!p1 $0x6;
	[sflag:s2] =	ssyncset.done @!p1 $0x0  }
0xac: {  	s5 =	simm.s32 @!p1 $0x200;
	[sflag:s2] =	ssyncadd.s32 @!p1 $0xFFFFFF80;
	s2 =	simm.s32 @!p1 $0x80  }
0xad: {  	[spmem:s3] =	stream.indirect.scatter.add.f32 @!p1 [tilespmem:s5], [sflag:$0x7], $0x40, s8, s2, $0xb8;
	[tilespmem:$0x17C40] =	vst v63  }
0xae: {  	_ =	swait.ge @!p1 [sflag:s7], $0x2000  }
0xaf: {  	[sflag:s7] =	ssyncset.done @!p1 $0x0  }
0xb0: {  	s0 =	sadd.s32 @!p1 $0x30, s0;
	[sflag:s7] =	ssyncadd.s32 @!p1 $0xFFFFE000  }
0xb1: {  	[tilespmem:s2], [sflag:$0x2] =	stream.linear.gather @!p1 [hbm4b:s0+s6], $0x80, $0x38;
	[tilespmem:$0x17C40] =	vst v63  }
0xb2: {  	_ =	swait.ge [sflag:s26], $0x80  }
0xb3: {  	[sflag:s26] =	ssyncset.done $0x0  }
0xb4: {  	[sflag:s26] =	ssyncadd.s32 $0xFFFFFF80  }
0xb5: {  	[spmem:s3] =	stream.indirect.scatter.add.f32 [tilespmem:s23], [sflag:$0x8], $0x40, s18, s17, $0xb8;
	[tilespmem:$0x17C40] =	vst v63  }
0xb6: {  	_ =	swait.ge [sflag:s28], $0x2000  }
0xb7: {  	[sflag:s28] =	ssyncset.done $0x0  }
0xb8: {  	[sflag:s28] =	ssyncadd.s32 $0xFFFFE000  }
0xb9: {  	_ =	swait.ge [sflag:s29], $0x2000  }
0xba: {  	[sflag:s29] =	ssyncset.done $0x0  }
0xbb: {  	[sflag:s29] =	ssyncadd.s32 $0xFFFFE000  }
0xbc: {  	s0 =	simm.s32 @p0 $0x9;
	[bflag:$0x0] =	sbarrier.arrive $0xFFFF  }
0xbd: {  	[hbm:s14], [sflag:s31] =	dma.local @p0 [spmem:s25], $0x1040  }
0xbe: {  	_ =	swait.ge @p0 [sflag:s0], $0x1040  }
0xbf: {  	s30 =	sadd.s32 $0x1, s30;
	[sflag:s0] =	ssyncset.done @p0 $0x0  }
0xc0: {  	p1 =	sne.s32 s30, s15;
	[sflag:s0] =	ssyncadd.s32 @p0 $0xFFFFEFC0;
	s0 =	sshrl.u32 @!p0 s11, $0x3  }
0xc1: {  	[hbm:s13], [sflag:s31] =	dma.local @!p0 [spmem:s0], $0x13C0  }
.Ltmp1:
0xc2: {  	_ = 	snop;
	(pc) =	sbr.rel @p1 .LBB2_1-.Ltmp1, $4  }
0xc3: {  	s0 =	simm.s32 @!p0 $0x9  }
0xc4: {  	_ =	swait.ge @!p0 [sflag:s0], $0x13C0  }
0xc5: {  	[sflag:s0] =	ssyncset.done @!p0 $0x0  }
0xc6: {  	[sflag:s0] =	ssyncadd.s32 @!p0 $0xFFFFEC40  }
0xc7: {  	_ =	sfence.sel $0x180000  }
0xc8: {  	[bflag:$0x0] =	sbarrier.arrive $0xFFFF  }
0xc9: {  	_ =	strace $0x9000004A  }
0xca: {  	s0 =	stileid.u32;
	[bflag:$0x2] =	sbarrier.arrive $0xFFFF  }
0xcb: {  	p0 =	sne.s32 s0, $0x0;
	s0 =	rddreg [dreg:$0x3]  }
0xcc: {  	s0 =	sadd.s32 @!p0 $0x100000, s0  }
0xcd: {  	[sflag:s0] =	ssyncadd.tile.s32 @!p0 $0x1;
	_ =	shalt  }
.Lfunc_end2:
_tile_overlayer_lowered:
.L_overlay_start_2:
0xce: {  	(tag) =	ssettag $0x2  }
0xcf: {  	s0 =	rddreg [dreg:$0x0];
	s2 =	stileid.u32  }
0xd0: {  	s1 =	rddreg [dreg:$0x1];
	p0 =	sne.s32 s2, $0x0  }
0xd1: {  	s3 =	rddreg [dreg:$0x2];
	[bflag:$0x3] =	sbarrier.arrive $0xFFFF;
	s2 =	simm.s32 @!p0 $0x1C09  }
0xd2: {  	[timem:s3], [sflag:s2] =	dma.local @!p0 [hbm:s0], s1  }
0xd3: {  	s0 =	simm.s32 @!p0 $0x9  }
0xd4: {  	_ =	swait.ge @!p0 [sflag:s0], s1  }
0xd5: {  	s1 =	ssub.s32 @!p0 $0x0, s1;
	[sflag:s0] =	ssyncset.done @!p0 $0x0  }
0xd6: {  	[sflag:s0] =	ssyncadd.s32 @!p0 s1  }
0xd7: {  	[bflag:$0x3] =	sbarrier.arrive $0xFFFF  }
0xd8: {  	_ =	shalt  }

</sc_bundles>
